<compile_context>
chip_gen: v7x
topology: tpu7x:2x2x1
jax: 0.10.2.dev20260603
libtpu: 0.0.44.dev20260713+nightly
codegen_flags: <defaults>
</compile_context>

<pallas_src>
import functools

import jax
import jax.numpy as jnp
from jax import lax
from jax.experimental import pallas as pl
from jax.experimental.pallas import tpu as pltpu
from jax.experimental.pallas import tpu_sc as plsc

N = 10000
E = 320000
D = 128
H = 128
C = 16

NC = 2
NS = 16
NW = NC * NS
CH = 128
E2 = 327680
ROWS = E2 // CH
RPW = ROWS // NW
IG = 2
RPG = RPW // IG

NG = N
NA = N + 8
RPT = 624
ZR = 208
NDR = 3
ZTAIL = NA - NS * RPT
DTAIL = N - NS * RPT



def _norm_mm_body(x_ref, w1_ref, p1_ref):
    x = x_ref[...]
    mean = jnp.mean(x, axis=0, keepdims=True)
    var = jnp.mean((x - mean) * (x - mean), axis=0, keepdims=True)
    h = (x - mean) * lax.rsqrt(var + 1e-5)
    p1_ref[...] = jnp.dot(h, w1_ref[...], preferred_element_type=jnp.float32)


def _mid_body(a_ref, d_ref, h2_ref):
    deg = jnp.maximum(d_ref[0][:, 0:1] + d_ref[1][:, 0:1], 1.0)
    h2_ref[...] = jnp.maximum((a_ref[0] + a_ref[1]) / deg, 0.0)


def _out_body(a_ref, d_ref, w2_ref, out_ref):
    deg = jnp.maximum(d_ref[0][:, 0:1] + d_ref[1][:, 0:1], 1.0)
    out_ref[...] = jnp.dot((a_ref[0] + a_ref[1]) / deg, w2_ref[...],
                           preferred_element_type=jnp.float32)



def _make_agg_body(with_deg):
    def body(*refs):
        if with_deg:
            (tab_hbm, src_hbm, dst_hbm, z128_hbm, ones_hbm,
             acc_out, deg_out, src_i, dst_i, rows0, ones_buf,
             acc_sh, sem0) = refs
        else:
            (tab_hbm, src_hbm, dst_hbm, z128_hbm,
             acc_out, src_i, dst_i, rows0, rows1, acc_sh, sem0, sem1) = refs
        c = lax.axis_index("c")
        s = lax.axis_index("s")

        t0 = s * RPT
        def zero_acc():
            def zcp(j, _):
                o = t0 + j * ZR
                pltpu.sync_copy(z128_hbm.at[pl.ds(o, ZR)],
                                acc_sh.at[pl.ds(o, ZR)])
                return 0
            lax.fori_loop(0, NDR, zcp, 0, unroll=False)

            @pl.when(s == 0)
            def _zero_tail():
                pltpu.sync_copy(z128_hbm.at[pl.ds(NS * RPT, ZTAIL)],
                                acc_sh.at[pl.ds(NS * RPT, ZTAIL)])

        def drain_acc(out_hbm):
            def dcp(j, _):
                o = t0 + j * ZR
                pltpu.sync_copy(acc_sh.at[pl.ds(o, ZR)],
                                out_hbm.at[c, pl.ds(o, ZR)])
                return 0
            lax.fori_loop(0, NDR, dcp, 0, unroll=False)

            @pl.when(s == 0)
            def _drain_tail():
                pltpu.sync_copy(acc_sh.at[pl.ds(NS * RPT, DTAIL)],
                                out_hbm.at[c, pl.ds(NS * RPT, DTAIL)])

        w0 = (c * NS + s) * RPW
        zero_acc()
        if with_deg:
            pltpu.sync_copy(ones_hbm, ones_buf)
            plsc.subcore_barrier()

            def dgroup(g, _):
                base = w0 + g * RPG
                pltpu.sync_copy(dst_hbm.at[pl.ds(base, RPG)], dst_i)

                def dchunk(k, _):
                    pltpu.sync_copy(ones_buf, acc_sh.at[dst_i.at[k]],
                                    add=True)
                    return 0
                lax.fori_loop(0, RPG, dchunk, 0, unroll=False)
                return 0
            lax.fori_loop(0, IG, dgroup, 0, unroll=False)
            plsc.subcore_barrier()
            drain_acc(deg_out)
            zero_acc()
        plsc.subcore_barrier()

        def group(g, _):
            base = w0 + g * RPG
            pltpu.sync_copy(src_hbm.at[pl.ds(base, RPG)], src_i)
            pltpu.sync_copy(dst_hbm.at[pl.ds(base, RPG)], dst_i)

            if with_deg:
                def chunk(k, _):
                    pltpu.async_copy(tab_hbm.at[src_i.at[k]], rows0,
                                     sem0).wait()
                    pltpu.sync_copy(rows0, acc_sh.at[dst_i.at[k]], add=True)
                    return 0
                lax.fori_loop(0, RPG, chunk, 0, unroll=False)
            else:
                def pair(j, _):
                    k0 = 2 * j
                    d0 = pltpu.async_copy(tab_hbm.at[src_i.at[k0]], rows0,
                                          sem0)
                    d1 = pltpu.async_copy(tab_hbm.at[src_i.at[k0 + 1]],
                                          rows1, sem1)
                    d0.wait()
                    pltpu.sync_copy(rows0, acc_sh.at[dst_i.at[k0]], add=True)
                    d1.wait()
                    pltpu.sync_copy(rows1, acc_sh.at[dst_i.at[k0 + 1]],
                                    add=True)
                    return 0
                lax.fori_loop(0, RPG // 2, pair, 0, unroll=False)
            return 0
        lax.fori_loop(0, IG, group, 0, unroll=False)
        plsc.subcore_barrier()
        drain_acc(acc_out)
    return body


_SC_MESH = plsc.VectorSubcoreMesh(
    core_axis_name="c", subcore_axis_name="s", num_cores=NC, num_subcores=NS)

_agg1 = functools.partial(
    pl.kernel,
    out_type=(jax.ShapeDtypeStruct((NC, N, H), jnp.float32),
              jax.ShapeDtypeStruct((NC, N, H), jnp.float32)),
    mesh=_SC_MESH,
    scratch_types=[
        pltpu.VMEM((RPG, CH), jnp.int32),
        pltpu.VMEM((RPG, CH), jnp.int32),
        pltpu.VMEM((CH, H), jnp.float32),
        pltpu.VMEM((CH, H), jnp.float32),
        pltpu.VMEM_SHARED((NA, H), jnp.float32),
        pltpu.SemaphoreType.DMA,
    ],
)(_make_agg_body(True))

_agg2 = functools.partial(
    pl.kernel,
    out_type=jax.ShapeDtypeStruct((NC, N, H), jnp.float32),
    mesh=_SC_MESH,
    scratch_types=[
        pltpu.VMEM((RPG, CH), jnp.int32),
        pltpu.VMEM((RPG, CH), jnp.int32),
        pltpu.VMEM((CH, H), jnp.float32),
        pltpu.VMEM((CH, H), jnp.float32),
        pltpu.VMEM_SHARED((NA, H), jnp.float32),
        pltpu.SemaphoreType.DMA,
        pltpu.SemaphoreType.DMA,
    ],
)(_make_agg_body(False))


def kernel(x, edge_index, W1, W2):
    ei = edge_index.astype(jnp.int32)
    pad = E2 - E
    src = jnp.concatenate([ei[0], jnp.zeros((pad,), jnp.int32)])
    dst = jnp.concatenate([ei[1], jnp.full((pad,), NG, jnp.int32)])
    src2d = src.reshape(ROWS, CH)
    dst2d = dst.reshape(ROWS, CH)
    z128 = jnp.zeros((NA, H), jnp.float32)
    ones128 = jnp.ones((CH, H), jnp.float32)

    p1 = pl.pallas_call(
        _norm_mm_body,
        out_shape=jax.ShapeDtypeStruct((N, H), jnp.float32),
    )(x, W1)

    a1p, degp = _agg1(p1, src2d, dst2d, z128, ones128)

    h2 = pl.pallas_call(
        _mid_body,
        out_shape=jax.ShapeDtypeStruct((N, H), jnp.float32),
    )(a1p, degp)

    a2p = _agg2(h2, src2d, dst2d, z128)

    out = pl.pallas_call(
        _out_body,
        out_shape=jax.ShapeDtypeStruct((N, C), jnp.float32),
    )(a2p, degp, W2)

    return out

# --- scband reference (transcript-rebuilt; emitter-appended) ---
"""Pipeline reference for scband-custom-78529182040086 (READ-ONLY COPY).

The authoritative reference and input builder live on the scoring server;
editing this copy changes nothing except your own understanding.
"""

import jax, jax.numpy as jnp
import numpy as np

N = 10000
E = 320000
D = 128
H = 128
C = 16

def setup_inputs(seed: int = 0):
    key = jax.random.key(seed)
    k1, k2, k3, k4 = jax.random.split(key, 4)
    x = jax.random.normal(k1, (N, D), dtype=jnp.float32)
    edge_index = jax.random.randint(k2, (2, E), 0, N)
    W1 = jax.random.normal(k3, (D, H), dtype=jnp.float32) * (1.0 / np.sqrt(D))
    W2 = jax.random.normal(k4, (H, C), dtype=jnp.float32) * (1.0 / np.sqrt(H))
    return {"x": x, "edge_index": edge_index, "W1": W1, "W2": W2}

def reference(x, edge_index, W1, W2):
    # BatchNorm1d(affine=False): normalize features using batch statistics
    mean = jnp.mean(x, axis=0)
    var = jnp.var(x, axis=0)
    h = (x - mean) / jnp.sqrt(var + 1e-5)
    src = edge_index[0]
    dst = edge_index[1]
    deg = jax.ops.segment_sum(jnp.ones((E,), dtype=jnp.float32), dst, num_segments=N)
    deg = jnp.clip(deg, 1.0)[:, None]
    # GNN layer 1: gather messages from src, scatter-add to dst, mean-normalize, linear
    agg = jax.ops.segment_sum(h[src], dst, num_segments=N) / deg
    h = agg @ W1
    h = jax.nn.relu(h)
    # (dropout p=0 is identity)
    # GNN layer 2
    agg2 = jax.ops.segment_sum(h[src], dst, num_segments=N) / deg
    out = agg2 @ W2
    return out

if __name__ == "__main__":
    import jax
    _d = setup_inputs()
    print(jax.jit(kernel)(*tuple(_d.values())))

</pallas_src>

<mosaic_0001>
#map = affine_map<(d0, d1) -> (0, 0)>
#map1 = affine_map<(d0, d1) -> (0, 0, 0)>
module attributes {stable_mosaic.version = 14 : i64} {
  func.func @body(%arg0: i32, %arg1: i32, %arg2: memref<10000x128xf32, #tpu.memory_space<hbm>>, %arg3: memref<2560x128xi32, #tpu.memory_space<hbm>>, %arg4: memref<2560x128xi32, #tpu.memory_space<hbm>>, %arg5: memref<10008x128xf32, #tpu.memory_space<hbm>>, %arg6: memref<128x128xf32, #tpu.memory_space<hbm>>, %arg7: memref<2x10000x128xf32, #tpu.memory_space<hbm>>, %arg8: memref<2x10000x128xf32, #tpu.memory_space<hbm>>, %arg9: memref<40x128xi32, #tpu.memory_space<vmem>>, %arg10: memref<40x128xi32, #tpu.memory_space<vmem>>, %arg11: memref<128x128xf32, #tpu.memory_space<vmem>>, %arg12: memref<128x128xf32, #tpu.memory_space<vmem>>, %arg13: memref<10008x128xf32, #tpu.memory_space<vmem_shared>>, %arg14: memref<!tpu.dma_semaphore, #tpu.memory_space<semaphore_mem>>) attributes {dimension_semantics = [#tpu.dimension_semantics<core_parallel>, #tpu.dimension_semantics<subcore_parallel>], iteration_bounds = array<i64: 2, 16>, scalar_prefetch = 0 : i64, scratch_operands = 6 : i64, tpu.core_type = #tpu.core_type<sc_vector_subcore>, window_params = [{transform_indices = #map}, {transform_indices = #map}, {transform_indices = #map}, {transform_indices = #map}, {transform_indices = #map}, {transform_indices = #map1}, {transform_indices = #map1}]} {
    %mul3A = arith.constant 624 : i32
    %mul3A_0 = arith.muli %arg1, %mul3A : i32
    %mul3A_1 = arith.constant 16 : i32
    %mul3A_2 = arith.muli %arg0, %mul3A_1 : i32
    %add3A = arith.addi %mul3A_2, %arg1 : i32
    %mul3A_3 = arith.constant 80 : i32
    %mul3A_4 = arith.muli %add3A, %mul3A_3 : i32
    %scan3A = arith.constant 0 : i32
    %scan3A_5 = arith.constant 0 : i32
    %scan3A_6 = arith.constant 3 : i32
    %scan3A_7 = arith.addi %scan3A_5, %scan3A_6 : i32
    %scan3A_8 = arith.constant 1 : i32
    %scan3A_9 = scf.for %scan3A_66 = %scan3A_5 to %scan3A_7 step %scan3A_8 iter_args(%scan3A_67 = %scan3A) -> (i32)  : i32 {
      %mul3A_68 = arith.constant 208 : i32
      %mul3A_69 = arith.muli %scan3A_66, %mul3A_68 : i32
      %add3A_70 = arith.addi %mul3A_0, %mul3A_69 : i32
      "tpu.region"() ({
        %run_scoped3A = tpu.sem_alloc : memref<!tpu.dma_semaphore, #tpu.memory_space<semaphore_mem>>
        %dma_start3A = arith.constant 0 : i32
        %dma_start3A_72 = tpu.memref_slice %arg13[%add3A_70, %dma_start3A] : memref<10008x128xf32, #tpu.memory_space<vmem_shared>> -> memref<208x128xf32, #tpu.memory_space<vmem_shared>>
        %dma_start3A_73 = arith.constant 0 : i32
        %dma_start3A_74 = tpu.memref_slice %arg5[%add3A_70, %dma_start3A_73] : memref<10008x128xf32, #tpu.memory_space<hbm>> -> memref<208x128xf32, #tpu.memory_space<hbm>>
        tpu.enqueue_dma source(%dma_start3A_74 : memref<208x128xf32, #tpu.memory_space<hbm>>) target(%dma_start3A_72 : memref<208x128xf32, #tpu.memory_space<vmem_shared>>) target_semaphore(%run_scoped3A : memref<!tpu.dma_semaphore, #tpu.memory_space<semaphore_mem>>)
        %dma_wait3A = arith.constant 0 : i32
        %dma_wait3A_75 = tpu.memref_slice %arg13[%add3A_70, %dma_wait3A] : memref<10008x128xf32, #tpu.memory_space<vmem_shared>> -> memref<208x128xf32, #tpu.memory_space<vmem_shared>>
        %dma_wait3A_76 = arith.constant 0 : i32
        %dma_wait3A_77 = tpu.memref_slice %arg5[%add3A_70, %dma_wait3A_76] : memref<10008x128xf32, #tpu.memory_space<hbm>> -> memref<208x128xf32, #tpu.memory_space<hbm>>
        tpu.wait_dma2 semaphore(%run_scoped3A : memref<!tpu.dma_semaphore, #tpu.memory_space<semaphore_mem>>) src(%dma_wait3A_77 : memref<208x128xf32, #tpu.memory_space<hbm>>) dst(%dma_wait3A_75 : memref<208x128xf32, #tpu.memory_space<vmem_shared>>)
        tpu.yield
      }) : () -> ()
      %scan3A_71 = arith.constant 0 : i32
      scf.yield %scan3A_71 : i32
    }
    %scan3A_10 = arith.constant 3 : i32
    %eq3A = arith.constant 0 : i32
    %eq3A_11 = arith.cmpi eq, %arg1, %eq3A : i32
    %convert_element_type3A = arith.extui %eq3A_11 : i1 to i32
    %cond3A = arith.constant 0 : i32
    %cond3A_12 = arith.cmpi ne, %convert_element_type3A, %cond3A : i32
    scf.if %cond3A_12 {
      "tpu.region"() ({
        %run_scoped3A = tpu.sem_alloc : memref<!tpu.dma_semaphore, #tpu.memory_space<semaphore_mem>>
        %dma_start3A = arith.constant 9984 : i32
        %dma_start3A_66 = arith.constant 0 : i32
        %dma_start3A_67 = tpu.memref_slice %arg13[%dma_start3A, %dma_start3A_66] : memref<10008x128xf32, #tpu.memory_space<vmem_shared>> -> memref<24x128xf32, #tpu.memory_space<vmem_shared>>
        %dma_start3A_68 = arith.constant 9984 : i32
        %dma_start3A_69 = arith.constant 0 : i32
        %dma_start3A_70 = tpu.memref_slice %arg5[%dma_start3A_68, %dma_start3A_69] : memref<10008x128xf32, #tpu.memory_space<hbm>> -> memref<24x128xf32, #tpu.memory_space<hbm>>
        tpu.enqueue_dma source(%dma_start3A_70 : memref<24x128xf32, #tpu.memory_space<hbm>>) target(%dma_start3A_67 : memref<24x128xf32, #tpu.memory_space<vmem_shared>>) target_semaphore(%run_scoped3A : memref<!tpu.dma_semaphore, #tpu.memory_space<semaphore_mem>>)
        %dma_wait3A = arith.constant 9984 : i32
        %dma_wait3A_71 = arith.constant 0 : i32
        %dma_wait3A_72 = tpu.memref_slice %arg13[%dma_wait3A, %dma_wait3A_71] : memref<10008x128xf32, #tpu.memory_space<vmem_shared>> -> memref<24x128xf32, #tpu.memory_space<vmem_shared>>
        %dma_wait3A_73 = arith.constant 9984 : i32
        %dma_wait3A_74 = arith.constant 0 : i32
        %dma_wait3A_75 = tpu.memref_slice %arg5[%dma_wait3A_73, %dma_wait3A_74] : memref<10008x128xf32, #tpu.memory_space<hbm>> -> memref<24x128xf32, #tpu.memory_space<hbm>>
        tpu.wait_dma2 semaphore(%run_scoped3A : memref<!tpu.dma_semaphore, #tpu.memory_space<semaphore_mem>>) src(%dma_wait3A_75 : memref<24x128xf32, #tpu.memory_space<hbm>>) dst(%dma_wait3A_72 : memref<24x128xf32, #tpu.memory_space<vmem_shared>>)
        tpu.yield
      }) : () -> ()
    } else {
    }
    "tpu.region"() ({
      %run_scoped3A = tpu.sem_alloc : memref<!tpu.dma_semaphore, #tpu.memory_space<semaphore_mem>>
      tpu.enqueue_dma source(%arg6 : memref<128x128xf32, #tpu.memory_space<hbm>>) target(%arg12 : memref<128x128xf32, #tpu.memory_space<vmem>>) target_semaphore(%run_scoped3A : memref<!tpu.dma_semaphore, #tpu.memory_space<semaphore_mem>>)
      tpu.wait_dma2 semaphore(%run_scoped3A : memref<!tpu.dma_semaphore, #tpu.memory_space<semaphore_mem>>) src(%arg6 : memref<128x128xf32, #tpu.memory_space<hbm>>) dst(%arg12 : memref<128x128xf32, #tpu.memory_space<vmem>>)
      tpu.yield
    }) : () -> ()
    %barrier3A = arith.constant 0 : index
    tpu.barrier barrier_id(%barrier3A)
    %scan3A_13 = arith.constant 0 : i32
    %scan3A_14 = arith.constant 0 : i32
    %scan3A_15 = arith.constant 2 : i32
    %scan3A_16 = arith.addi %scan3A_14, %scan3A_15 : i32
    %scan3A_17 = arith.constant 1 : i32
    %scan3A_18 = scf.for %scan3A_66 = %scan3A_14 to %scan3A_16 step %scan3A_17 iter_args(%scan3A_67 = %scan3A_13) -> (i32)  : i32 {
      %mul3A_68 = arith.constant 40 : i32
      %mul3A_69 = arith.muli %scan3A_66, %mul3A_68 : i32
      %add3A_70 = arith.addi %mul3A_4, %mul3A_69 : i32
      "tpu.region"() ({
        %run_scoped3A = tpu.sem_alloc : memref<!tpu.dma_semaphore, #tpu.memory_space<semaphore_mem>>
        %dma_start3A = arith.constant 0 : i32
        %dma_start3A_79 = tpu.memref_slice %arg4[%add3A_70, %dma_start3A] : memref<2560x128xi32, #tpu.memory_space<hbm>> -> memref<40x128xi32, #tpu.memory_space<hbm>>
        %dma_start3A_80 = arith.constant 0 : i32
        %dma_start3A_81 = tpu.memref_slice %arg4[%add3A_70, %dma_start3A_80] : memref<2560x128xi32, #tpu.memory_space<hbm>> -> memref<40x128xi32, #tpu.memory_space<hbm>>
        tpu.enqueue_dma source(%dma_start3A_81 : memref<40x128xi32, #tpu.memory_space<hbm>>) target(%arg10 : memref<40x128xi32, #tpu.memory_space<vmem>>) target_semaphore(%run_scoped3A : memref<!tpu.dma_semaphore, #tpu.memory_space<semaphore_mem>>)
        %dma_wait3A = arith.constant 0 : i32
        %dma_wait3A_82 = tpu.memref_slice %arg4[%add3A_70, %dma_wait3A] : memref<2560x128xi32, #tpu.memory_space<hbm>> -> memref<40x128xi32, #tpu.memory_space<hbm>>
        %dma_wait3A_83 = arith.constant 0 : i32
        %dma_wait3A_84 = tpu.memref_slice %arg4[%add3A_70, %dma_wait3A_83] : memref<2560x128xi32, #tpu.memory_space<hbm>> -> memref<40x128xi32, #tpu.memory_space<hbm>>
        tpu.wait_dma2 semaphore(%run_scoped3A : memref<!tpu.dma_semaphore, #tpu.memory_space<semaphore_mem>>) src(%dma_wait3A_84 : memref<40x128xi32, #tpu.memory_space<hbm>>) dst(%arg10 : memref<40x128xi32, #tpu.memory_space<vmem>>)
        tpu.yield
      }) : () -> ()
      %scan3A_71 = arith.constant 0 : i32
      %scan3A_72 = arith.constant 0 : i32
      %scan3A_73 = arith.constant 40 : i32
      %scan3A_74 = arith.addi %scan3A_72, %scan3A_73 : i32
      %scan3A_75 = arith.constant 1 : i32
      %scan3A_76 = scf.for %scan3A_79 = %scan3A_72 to %scan3A_74 step %scan3A_75 iter_args(%scan3A_80 = %scan3A_71) -> (i32)  : i32 {
        "tpu.region"() ({
          %run_scoped3A = tpu.sem_alloc : memref<!tpu.dma_semaphore, #tpu.memory_space<semaphore_mem>>
          %dma_start3A = arith.constant 0 : i32
          %dma_start3A_82 = tpu.memref_slice %arg10[%scan3A_79, %dma_start3A] : memref<40x128xi32, #tpu.memory_space<vmem>> -> memref<1x128xi32, #tpu.memory_space<vmem>>
          %dma_start3A_83 = tpu.memref_squeeze %dma_start3A_82 : memref<1x128xi32, #tpu.memory_space<vmem>> -> memref<128xi32, #tpu.memory_space<vmem>>
          %dma_start3A_84 = arith.constant 0 : i32
          %dma_start3A_85 = arith.constant 0 : i32
          %dma_start3A_86 = tpu.memref_slice %arg13[%dma_start3A_84, %dma_start3A_85] : memref<10008x128xf32, #tpu.memory_space<vmem_shared>> -> memref<10008x128xf32, #tpu.memory_space<vmem_shared>>
          tpu.enqueue_indirect_dma source(%arg12 : memref<128x128xf32, #tpu.memory_space<vmem>>) target(%dma_start3A_86 : memref<10008x128xf32, #tpu.memory_space<vmem_shared>>) offsets(%dma_start3A_83 : memref<128xi32, #tpu.memory_space<vmem>>) semaphore(%run_scoped3A : memref<!tpu.dma_semaphore, #tpu.memory_space<semaphore_mem>>) {add = true}
          %dma_wait3A = arith.constant 0 : i32
          %dma_wait3A_87 = tpu.memref_slice %arg10[%scan3A_79, %dma_wait3A] : memref<40x128xi32, #tpu.memory_space<vmem>> -> memref<1x128xi32, #tpu.memory_space<vmem>>
          %dma_wait3A_88 = tpu.memref_squeeze %dma_wait3A_87 : memref<1x128xi32, #tpu.memory_space<vmem>> -> memref<128xi32, #tpu.memory_space<vmem>>
          %dma_wait3A_89 = arith.constant 0 : i32
          %dma_wait3A_90 = arith.constant 0 : i32
          %dma_wait3A_91 = tpu.memref_slice %arg13[%dma_wait3A_89, %dma_wait3A_90] : memref<10008x128xf32, #tpu.memory_space<vmem_shared>> -> memref<10008x128xf32, #tpu.memory_space<vmem_shared>>
          tpu.wait_indirect_dma semaphore(%run_scoped3A : memref<!tpu.dma_semaphore, #tpu.memory_space<semaphore_mem>>) src(%arg12 : memref<128x128xf32, #tpu.memory_space<vmem>>) dst(%dma_wait3A_91 : memref<10008x128xf32, #tpu.memory_space<vmem_shared>>)
          tpu.yield
        }) : () -> ()
        %scan3A_81 = arith.constant 0 : i32
        scf.yield %scan3A_81 : i32
      }
      %scan3A_77 = arith.constant 40 : i32
      %scan3A_78 = arith.constant 0 : i32
      scf.yield %scan3A_78 : i32
    }
    %scan3A_19 = arith.constant 2 : i32
    %barrier3A_20 = arith.constant 0 : index
    tpu.barrier barrier_id(%barrier3A_20)
    %scan3A_21 = arith.constant 0 : i32
    %scan3A_22 = arith.constant 0 : i32
    %scan3A_23 = arith.constant 3 : i32
    %scan3A_24 = arith.addi %scan3A_22, %scan3A_23 : i32
    %scan3A_25 = arith.constant 1 : i32
    %scan3A_26 = scf.for %scan3A_66 = %scan3A_22 to %scan3A_24 step %scan3A_25 iter_args(%scan3A_67 = %scan3A_21) -> (i32)  : i32 {
      %mul3A_68 = arith.constant 208 : i32
      %mul3A_69 = arith.muli %scan3A_66, %mul3A_68 : i32
      %add3A_70 = arith.addi %mul3A_0, %mul3A_69 : i32
      "tpu.region"() ({
        %run_scoped3A = tpu.sem_alloc : memref<!tpu.dma_semaphore, #tpu.memory_space<semaphore_mem>>
        %dma_start3A = arith.constant 0 : i32
        %dma_start3A_72 = tpu.memref_slice %arg8[%arg0, %add3A_70, %dma_start3A] : memref<2x10000x128xf32, #tpu.memory_space<hbm>> -> memref<1x208x128xf32, #tpu.memory_space<hbm>>
        %dma_start3A_73 = tpu.memref_squeeze %dma_start3A_72 : memref<1x208x128xf32, #tpu.memory_space<hbm>> -> memref<208x128xf32, #tpu.memory_space<hbm>>
        %dma_start3A_74 = arith.constant 0 : i32
        %dma_start3A_75 = tpu.memref_slice %arg13[%add3A_70, %dma_start3A_74] : memref<10008x128xf32, #tpu.memory_space<vmem_shared>> -> memref<208x128xf32, #tpu.memory_space<vmem_shared>>
        tpu.enqueue_dma source(%dma_start3A_75 : memref<208x128xf32, #tpu.memory_space<vmem_shared>>) target(%dma_start3A_73 : memref<208x128xf32, #tpu.memory_space<hbm>>) target_semaphore(%run_scoped3A : memref<!tpu.dma_semaphore, #tpu.memory_space<semaphore_mem>>)
        %dma_wait3A = arith.constant 0 : i32
        %dma_wait3A_76 = tpu.memref_slice %arg8[%arg0, %add3A_70, %dma_wait3A] : memref<2x10000x128xf32, #tpu.memory_space<hbm>> -> memref<1x208x128xf32, #tpu.memory_space<hbm>>
        %dma_wait3A_77 = tpu.memref_squeeze %dma_wait3A_76 : memref<1x208x128xf32, #tpu.memory_space<hbm>> -> memref<208x128xf32, #tpu.memory_space<hbm>>
        %dma_wait3A_78 = arith.constant 0 : i32
        %dma_wait3A_79 = tpu.memref_slice %arg13[%add3A_70, %dma_wait3A_78] : memref<10008x128xf32, #tpu.memory_space<vmem_shared>> -> memref<208x128xf32, #tpu.memory_space<vmem_shared>>
        tpu.wait_dma2 semaphore(%run_scoped3A : memref<!tpu.dma_semaphore, #tpu.memory_space<semaphore_mem>>) src(%dma_wait3A_79 : memref<208x128xf32, #tpu.memory_space<vmem_shared>>) dst(%dma_wait3A_77 : memref<208x128xf32, #tpu.memory_space<hbm>>)
        tpu.yield
      }) : () -> ()
      %scan3A_71 = arith.constant 0 : i32
      scf.yield %scan3A_71 : i32
    }
    %scan3A_27 = arith.constant 3 : i32
    %eq3A_28 = arith.constant 0 : i32
    %eq3A_29 = arith.cmpi eq, %arg1, %eq3A_28 : i32
    %convert_element_type3A_30 = arith.extui %eq3A_29 : i1 to i32
    %cond3A_31 = arith.constant 0 : i32
    %cond3A_32 = arith.cmpi ne, %convert_element_type3A_30, %cond3A_31 : i32
    scf.if %cond3A_32 {
      "tpu.region"() ({
        %run_scoped3A = tpu.sem_alloc : memref<!tpu.dma_semaphore, #tpu.memory_space<semaphore_mem>>
        %dma_start3A = arith.constant 9984 : i32
        %dma_start3A_66 = arith.constant 0 : i32
        %dma_start3A_67 = tpu.memref_slice %arg8[%arg0, %dma_start3A, %dma_start3A_66] : memref<2x10000x128xf32, #tpu.memory_space<hbm>> -> memref<1x16x128xf32, #tpu.memory_space<hbm>>
        %dma_start3A_68 = tpu.memref_squeeze %dma_start3A_67 : memref<1x16x128xf32, #tpu.memory_space<hbm>> -> memref<16x128xf32, #tpu.memory_space<hbm>>
        %dma_start3A_69 = arith.constant 9984 : i32
        %dma_start3A_70 = arith.constant 0 : i32
        %dma_start3A_71 = tpu.memref_slice %arg13[%dma_start3A_69, %dma_start3A_70] : memref<10008x128xf32, #tpu.memory_space<vmem_shared>> -> memref<16x128xf32, #tpu.memory_space<vmem_shared>>
        tpu.enqueue_dma source(%dma_start3A_71 : memref<16x128xf32, #tpu.memory_space<vmem_shared>>) target(%dma_start3A_68 : memref<16x128xf32, #tpu.memory_space<hbm>>) target_semaphore(%run_scoped3A : memref<!tpu.dma_semaphore, #tpu.memory_space<semaphore_mem>>)
        %dma_wait3A = arith.constant 9984 : i32
        %dma_wait3A_72 = arith.constant 0 : i32
        %dma_wait3A_73 = tpu.memref_slice %arg8[%arg0, %dma_wait3A, %dma_wait3A_72] : memref<2x10000x128xf32, #tpu.memory_space<hbm>> -> memref<1x16x128xf32, #tpu.memory_space<hbm>>
        %dma_wait3A_74 = tpu.memref_squeeze %dma_wait3A_73 : memref<1x16x128xf32, #tpu.memory_space<hbm>> -> memref<16x128xf32, #tpu.memory_space<hbm>>
        %dma_wait3A_75 = arith.constant 9984 : i32
        %dma_wait3A_76 = arith.constant 0 : i32
        %dma_wait3A_77 = tpu.memref_slice %arg13[%dma_wait3A_75, %dma_wait3A_76] : memref<10008x128xf32, #tpu.memory_space<vmem_shared>> -> memref<16x128xf32, #tpu.memory_space<vmem_shared>>
        tpu.wait_dma2 semaphore(%run_scoped3A : memref<!tpu.dma_semaphore, #tpu.memory_space<semaphore_mem>>) src(%dma_wait3A_77 : memref<16x128xf32, #tpu.memory_space<vmem_shared>>) dst(%dma_wait3A_74 : memref<16x128xf32, #tpu.memory_space<hbm>>)
        tpu.yield
      }) : () -> ()
    } else {
    }
    %scan3A_33 = arith.constant 0 : i32
    %scan3A_34 = arith.constant 0 : i32
    %scan3A_35 = arith.constant 3 : i32
    %scan3A_36 = arith.addi %scan3A_34, %scan3A_35 : i32
    %scan3A_37 = arith.constant 1 : i32
    %scan3A_38 = scf.for %scan3A_66 = %scan3A_34 to %scan3A_36 step %scan3A_37 iter_args(%scan3A_67 = %scan3A_33) -> (i32)  : i32 {
      %mul3A_68 = arith.constant 208 : i32
      %mul3A_69 = arith.muli %scan3A_66, %mul3A_68 : i32
      %add3A_70 = arith.addi %mul3A_0, %mul3A_69 : i32
      "tpu.region"() ({
        %run_scoped3A = tpu.sem_alloc : memref<!tpu.dma_semaphore, #tpu.memory_space<semaphore_mem>>
        %dma_start3A = arith.constant 0 : i32
        %dma_start3A_72 = tpu.memref_slice %arg13[%add3A_70, %dma_start3A] : memref<10008x128xf32, #tpu.memory_space<vmem_shared>> -> memref<208x128xf32, #tpu.memory_space<vmem_shared>>
        %dma_start3A_73 = arith.constant 0 : i32
        %dma_start3A_74 = tpu.memref_slice %arg5[%add3A_70, %dma_start3A_73] : memref<10008x128xf32, #tpu.memory_space<hbm>> -> memref<208x128xf32, #tpu.memory_space<hbm>>
        tpu.enqueue_dma source(%dma_start3A_74 : memref<208x128xf32, #tpu.memory_space<hbm>>) target(%dma_start3A_72 : memref<208x128xf32, #tpu.memory_space<vmem_shared>>) target_semaphore(%run_scoped3A : memref<!tpu.dma_semaphore, #tpu.memory_space<semaphore_mem>>)
        %dma_wait3A = arith.constant 0 : i32
        %dma_wait3A_75 = tpu.memref_slice %arg13[%add3A_70, %dma_wait3A] : memref<10008x128xf32, #tpu.memory_space<vmem_shared>> -> memref<208x128xf32, #tpu.memory_space<vmem_shared>>
        %dma_wait3A_76 = arith.constant 0 : i32
        %dma_wait3A_77 = tpu.memref_slice %arg5[%add3A_70, %dma_wait3A_76] : memref<10008x128xf32, #tpu.memory_space<hbm>> -> memref<208x128xf32, #tpu.memory_space<hbm>>
        tpu.wait_dma2 semaphore(%run_scoped3A : memref<!tpu.dma_semaphore, #tpu.memory_space<semaphore_mem>>) src(%dma_wait3A_77 : memref<208x128xf32, #tpu.memory_space<hbm>>) dst(%dma_wait3A_75 : memref<208x128xf32, #tpu.memory_space<vmem_shared>>)
        tpu.yield
      }) : () -> ()
      %scan3A_71 = arith.constant 0 : i32
      scf.yield %scan3A_71 : i32
    }
    %scan3A_39 = arith.constant 3 : i32
    %eq3A_40 = arith.constant 0 : i32
    %eq3A_41 = arith.cmpi eq, %arg1, %eq3A_40 : i32
    %convert_element_type3A_42 = arith.extui %eq3A_41 : i1 to i32
    %cond3A_43 = arith.constant 0 : i32
    %cond3A_44 = arith.cmpi ne, %convert_element_type3A_42, %cond3A_43 : i32
    scf.if %cond3A_44 {
      "tpu.region"() ({
        %run_scoped3A = tpu.sem_alloc : memref<!tpu.dma_semaphore, #tpu.memory_space<semaphore_mem>>
        %dma_start3A = arith.constant 9984 : i32
        %dma_start3A_66 = arith.constant 0 : i32
        %dma_start3A_67 = tpu.memref_slice %arg13[%dma_start3A, %dma_start3A_66] : memref<10008x128xf32, #tpu.memory_space<vmem_shared>> -> memref<24x128xf32, #tpu.memory_space<vmem_shared>>
        %dma_start3A_68 = arith.constant 9984 : i32
        %dma_start3A_69 = arith.constant 0 : i32
        %dma_start3A_70 = tpu.memref_slice %arg5[%dma_start3A_68, %dma_start3A_69] : memref<10008x128xf32, #tpu.memory_space<hbm>> -> memref<24x128xf32, #tpu.memory_space<hbm>>
        tpu.enqueue_dma source(%dma_start3A_70 : memref<24x128xf32, #tpu.memory_space<hbm>>) target(%dma_start3A_67 : memref<24x128xf32, #tpu.memory_space<vmem_shared>>) target_semaphore(%run_scoped3A : memref<!tpu.dma_semaphore, #tpu.memory_space<semaphore_mem>>)
        %dma_wait3A = arith.constant 9984 : i32
        %dma_wait3A_71 = arith.constant 0 : i32
        %dma_wait3A_72 = tpu.memref_slice %arg13[%dma_wait3A, %dma_wait3A_71] : memref<10008x128xf32, #tpu.memory_space<vmem_shared>> -> memref<24x128xf32, #tpu.memory_space<vmem_shared>>
        %dma_wait3A_73 = arith.constant 9984 : i32
        %dma_wait3A_74 = arith.constant 0 : i32
        %dma_wait3A_75 = tpu.memref_slice %arg5[%dma_wait3A_73, %dma_wait3A_74] : memref<10008x128xf32, #tpu.memory_space<hbm>> -> memref<24x128xf32, #tpu.memory_space<hbm>>
        tpu.wait_dma2 semaphore(%run_scoped3A : memref<!tpu.dma_semaphore, #tpu.memory_space<semaphore_mem>>) src(%dma_wait3A_75 : memref<24x128xf32, #tpu.memory_space<hbm>>) dst(%dma_wait3A_72 : memref<24x128xf32, #tpu.memory_space<vmem_shared>>)
        tpu.yield
      }) : () -> ()
    } else {
    }
    %barrier3A_45 = arith.constant 0 : index
    tpu.barrier barrier_id(%barrier3A_45)
    %scan3A_46 = arith.constant 0 : i32
    %scan3A_47 = arith.constant 0 : i32
    %scan3A_48 = arith.constant 2 : i32
    %scan3A_49 = arith.addi %scan3A_47, %scan3A_48 : i32
    %scan3A_50 = arith.constant 1 : i32
    %scan3A_51 = scf.for %scan3A_66 = %scan3A_47 to %scan3A_49 step %scan3A_50 iter_args(%scan3A_67 = %scan3A_46) -> (i32)  : i32 {
      %mul3A_68 = arith.constant 40 : i32
      %mul3A_69 = arith.muli %scan3A_66, %mul3A_68 : i32
      %add3A_70 = arith.addi %mul3A_4, %mul3A_69 : i32
      "tpu.region"() ({
        %run_scoped3A = tpu.sem_alloc : memref<!tpu.dma_semaphore, #tpu.memory_space<semaphore_mem>>
        %dma_start3A = arith.constant 0 : i32
        %dma_start3A_79 = tpu.memref_slice %arg3[%add3A_70, %dma_start3A] : memref<2560x128xi32, #tpu.memory_space<hbm>> -> memref<40x128xi32, #tpu.memory_space<hbm>>
        %dma_start3A_80 = arith.constant 0 : i32
        %dma_start3A_81 = tpu.memref_slice %arg3[%add3A_70, %dma_start3A_80] : memref<2560x128xi32, #tpu.memory_space<hbm>> -> memref<40x128xi32, #tpu.memory_space<hbm>>
        tpu.enqueue_dma source(%dma_start3A_81 : memref<40x128xi32, #tpu.memory_space<hbm>>) target(%arg9 : memref<40x128xi32, #tpu.memory_space<vmem>>) target_semaphore(%run_scoped3A : memref<!tpu.dma_semaphore, #tpu.memory_space<semaphore_mem>>)
        %dma_wait3A = arith.constant 0 : i32
        %dma_wait3A_82 = tpu.memref_slice %arg3[%add3A_70, %dma_wait3A] : memref<2560x128xi32, #tpu.memory_space<hbm>> -> memref<40x128xi32, #tpu.memory_space<hbm>>
        %dma_wait3A_83 = arith.constant 0 : i32
        %dma_wait3A_84 = tpu.memref_slice %arg3[%add3A_70, %dma_wait3A_83] : memref<2560x128xi32, #tpu.memory_space<hbm>> -> memref<40x128xi32, #tpu.memory_space<hbm>>
        tpu.wait_dma2 semaphore(%run_scoped3A : memref<!tpu.dma_semaphore, #tpu.memory_space<semaphore_mem>>) src(%dma_wait3A_84 : memref<40x128xi32, #tpu.memory_space<hbm>>) dst(%arg9 : memref<40x128xi32, #tpu.memory_space<vmem>>)
        tpu.yield
      }) : () -> ()
      "tpu.region"() ({
        %run_scoped3A = tpu.sem_alloc : memref<!tpu.dma_semaphore, #tpu.memory_space<semaphore_mem>>
        %dma_start3A = arith.constant 0 : i32
        %dma_start3A_79 = tpu.memref_slice %arg4[%add3A_70, %dma_start3A] : memref<2560x128xi32, #tpu.memory_space<hbm>> -> memref<40x128xi32, #tpu.memory_space<hbm>>
        %dma_start3A_80 = arith.constant 0 : i32
        %dma_start3A_81 = tpu.memref_slice %arg4[%add3A_70, %dma_start3A_80] : memref<2560x128xi32, #tpu.memory_space<hbm>> -> memref<40x128xi32, #tpu.memory_space<hbm>>
        tpu.enqueue_dma source(%dma_start3A_81 : memref<40x128xi32, #tpu.memory_space<hbm>>) target(%arg10 : memref<40x128xi32, #tpu.memory_space<vmem>>) target_semaphore(%run_scoped3A : memref<!tpu.dma_semaphore, #tpu.memory_space<semaphore_mem>>)
        %dma_wait3A = arith.constant 0 : i32
        %dma_wait3A_82 = tpu.memref_slice %arg4[%add3A_70, %dma_wait3A] : memref<2560x128xi32, #tpu.memory_space<hbm>> -> memref<40x128xi32, #tpu.memory_space<hbm>>
        %dma_wait3A_83 = arith.constant 0 : i32
        %dma_wait3A_84 = tpu.memref_slice %arg4[%add3A_70, %dma_wait3A_83] : memref<2560x128xi32, #tpu.memory_space<hbm>> -> memref<40x128xi32, #tpu.memory_space<hbm>>
        tpu.wait_dma2 semaphore(%run_scoped3A : memref<!tpu.dma_semaphore, #tpu.memory_space<semaphore_mem>>) src(%dma_wait3A_84 : memref<40x128xi32, #tpu.memory_space<hbm>>) dst(%arg10 : memref<40x128xi32, #tpu.memory_space<vmem>>)
        tpu.yield
      }) : () -> ()
      %scan3A_71 = arith.constant 0 : i32
      %scan3A_72 = arith.constant 0 : i32
      %scan3A_73 = arith.constant 40 : i32
      %scan3A_74 = arith.addi %scan3A_72, %scan3A_73 : i32
      %scan3A_75 = arith.constant 1 : i32
      %scan3A_76 = scf.for %scan3A_79 = %scan3A_72 to %scan3A_74 step %scan3A_75 iter_args(%scan3A_80 = %scan3A_71) -> (i32)  : i32 {
        %dma_start3A = arith.constant 0 : i32
        %dma_start3A_81 = tpu.memref_slice %arg9[%scan3A_79, %dma_start3A] : memref<40x128xi32, #tpu.memory_space<vmem>> -> memref<1x128xi32, #tpu.memory_space<vmem>>
        %dma_start3A_82 = tpu.memref_squeeze %dma_start3A_81 : memref<1x128xi32, #tpu.memory_space<vmem>> -> memref<128xi32, #tpu.memory_space<vmem>>
        %dma_start3A_83 = arith.constant 0 : i32
        %dma_start3A_84 = arith.constant 0 : i32
        %dma_start3A_85 = tpu.memref_slice %arg2[%dma_start3A_83, %dma_start3A_84] : memref<10000x128xf32, #tpu.memory_space<hbm>> -> memref<10000x128xf32, #tpu.memory_space<hbm>>
        tpu.enqueue_indirect_dma source(%dma_start3A_85 : memref<10000x128xf32, #tpu.memory_space<hbm>>) target(%arg11 : memref<128x128xf32, #tpu.memory_space<vmem>>) offsets(%dma_start3A_82 : memref<128xi32, #tpu.memory_space<vmem>>) semaphore(%arg14 : memref<!tpu.dma_semaphore, #tpu.memory_space<semaphore_mem>>)
        %dma_wait3A = arith.constant 0 : i32
        %dma_wait3A_86 = tpu.memref_slice %arg9[%scan3A_79, %dma_wait3A] : memref<40x128xi32, #tpu.memory_space<vmem>> -> memref<1x128xi32, #tpu.memory_space<vmem>>
        %dma_wait3A_87 = tpu.memref_squeeze %dma_wait3A_86 : memref<1x128xi32, #tpu.memory_space<vmem>> -> memref<128xi32, #tpu.memory_space<vmem>>
        %dma_wait3A_88 = arith.constant 0 : i32
        %dma_wait3A_89 = arith.constant 0 : i32
        %dma_wait3A_90 = tpu.memref_slice %arg2[%dma_wait3A_88, %dma_wait3A_89] : memref<10000x128xf32, #tpu.memory_space<hbm>> -> memref<10000x128xf32, #tpu.memory_space<hbm>>
        tpu.wait_indirect_dma semaphore(%arg14 : memref<!tpu.dma_semaphore, #tpu.memory_space<semaphore_mem>>) src(%dma_wait3A_90 : memref<10000x128xf32, #tpu.memory_space<hbm>>) dst(%arg11 : memref<128x128xf32, #tpu.memory_space<vmem>>)
        "tpu.region"() ({
          %run_scoped3A = tpu.sem_alloc : memref<!tpu.dma_semaphore, #tpu.memory_space<semaphore_mem>>
          %dma_start3A_92 = arith.constant 0 : i32
          %dma_start3A_93 = tpu.memref_slice %arg10[%scan3A_79, %dma_start3A_92] : memref<40x128xi32, #tpu.memory_space<vmem>> -> memref<1x128xi32, #tpu.memory_space<vmem>>
          %dma_start3A_94 = tpu.memref_squeeze %dma_start3A_93 : memref<1x128xi32, #tpu.memory_space<vmem>> -> memref<128xi32, #tpu.memory_space<vmem>>
          %dma_start3A_95 = arith.constant 0 : i32
          %dma_start3A_96 = arith.constant 0 : i32
          %dma_start3A_97 = tpu.memref_slice %arg13[%dma_start3A_95, %dma_start3A_96] : memref<10008x128xf32, #tpu.memory_space<vmem_shared>> -> memref<10008x128xf32, #tpu.memory_space<vmem_shared>>
          tpu.enqueue_indirect_dma source(%arg11 : memref<128x128xf32, #tpu.memory_space<vmem>>) target(%dma_start3A_97 : memref<10008x128xf32, #tpu.memory_space<vmem_shared>>) offsets(%dma_start3A_94 : memref<128xi32, #tpu.memory_space<vmem>>) semaphore(%run_scoped3A : memref<!tpu.dma_semaphore, #tpu.memory_space<semaphore_mem>>) {add = true}
          %dma_wait3A_98 = arith.constant 0 : i32
          %dma_wait3A_99 = tpu.memref_slice %arg10[%scan3A_79, %dma_wait3A_98] : memref<40x128xi32, #tpu.memory_space<vmem>> -> memref<1x128xi32, #tpu.memory_space<vmem>>
          %dma_wait3A_100 = tpu.memref_squeeze %dma_wait3A_99 : memref<1x128xi32, #tpu.memory_space<vmem>> -> memref<128xi32, #tpu.memory_space<vmem>>
          %dma_wait3A_101 = arith.constant 0 : i32
          %dma_wait3A_102 = arith.constant 0 : i32
          %dma_wait3A_103 = tpu.memref_slice %arg13[%dma_wait3A_101, %dma_wait3A_102] : memref<10008x128xf32, #tpu.memory_space<vmem_shared>> -> memref<10008x128xf32, #tpu.memory_space<vmem_shared>>
          tpu.wait_indirect_dma semaphore(%run_scoped3A : memref<!tpu.dma_semaphore, #tpu.memory_space<semaphore_mem>>) src(%arg11 : memref<128x128xf32, #tpu.memory_space<vmem>>) dst(%dma_wait3A_103 : memref<10008x128xf32, #tpu.memory_space<vmem_shared>>)
          tpu.yield
        }) : () -> ()
        %scan3A_91 = arith.constant 0 : i32
        scf.yield %scan3A_91 : i32
      }
      %scan3A_77 = arith.constant 40 : i32
      %scan3A_78 = arith.constant 0 : i32
      scf.yield %scan3A_78 : i32
    }
    %scan3A_52 = arith.constant 2 : i32
    %barrier3A_53 = arith.constant 0 : index
    tpu.barrier barrier_id(%barrier3A_53)
    %scan3A_54 = arith.constant 0 : i32
    %scan3A_55 = arith.constant 0 : i32
    %scan3A_56 = arith.constant 3 : i32
    %scan3A_57 = arith.addi %scan3A_55, %scan3A_56 : i32
    %scan3A_58 = arith.constant 1 : i32
    %scan3A_59 = scf.for %scan3A_66 = %scan3A_55 to %scan3A_57 step %scan3A_58 iter_args(%scan3A_67 = %scan3A_54) -> (i32)  : i32 {
      %mul3A_68 = arith.constant 208 : i32
      %mul3A_69 = arith.muli %scan3A_66, %mul3A_68 : i32
      %add3A_70 = arith.addi %mul3A_0, %mul3A_69 : i32
      "tpu.region"() ({
        %run_scoped3A = tpu.sem_alloc : memref<!tpu.dma_semaphore, #tpu.memory_space<semaphore_mem>>
        %dma_start3A = arith.constant 0 : i32
        %dma_start3A_72 = tpu.memref_slice %arg7[%arg0, %add3A_70, %dma_start3A] : memref<2x10000x128xf32, #tpu.memory_space<hbm>> -> memref<1x208x128xf32, #tpu.memory_space<hbm>>
        %dma_start3A_73 = tpu.memref_squeeze %dma_start3A_72 : memref<1x208x128xf32, #tpu.memory_space<hbm>> -> memref<208x128xf32, #tpu.memory_space<hbm>>
        %dma_start3A_74 = arith.constant 0 : i32
        %dma_start3A_75 = tpu.memref_slice %arg13[%add3A_70, %dma_start3A_74] : memref<10008x128xf32, #tpu.memory_space<vmem_shared>> -> memref<208x128xf32, #tpu.memory_space<vmem_shared>>
        tpu.enqueue_dma source(%dma_start3A_75 : memref<208x128xf32, #tpu.memory_space<vmem_shared>>) target(%dma_start3A_73 : memref<208x128xf32, #tpu.memory_space<hbm>>) target_semaphore(%run_scoped3A : memref<!tpu.dma_semaphore, #tpu.memory_space<semaphore_mem>>)
        %dma_wait3A = arith.constant 0 : i32
        %dma_wait3A_76 = tpu.memref_slice %arg7[%arg0, %add3A_70, %dma_wait3A] : memref<2x10000x128xf32, #tpu.memory_space<hbm>> -> memref<1x208x128xf32, #tpu.memory_space<hbm>>
        %dma_wait3A_77 = tpu.memref_squeeze %dma_wait3A_76 : memref<1x208x128xf32, #tpu.memory_space<hbm>> -> memref<208x128xf32, #tpu.memory_space<hbm>>
        %dma_wait3A_78 = arith.constant 0 : i32
        %dma_wait3A_79 = tpu.memref_slice %arg13[%add3A_70, %dma_wait3A_78] : memref<10008x128xf32, #tpu.memory_space<vmem_shared>> -> memref<208x128xf32, #tpu.memory_space<vmem_shared>>
        tpu.wait_dma2 semaphore(%run_scoped3A : memref<!tpu.dma_semaphore, #tpu.memory_space<semaphore_mem>>) src(%dma_wait3A_79 : memref<208x128xf32, #tpu.memory_space<vmem_shared>>) dst(%dma_wait3A_77 : memref<208x128xf32, #tpu.memory_space<hbm>>)
        tpu.yield
      }) : () -> ()
      %scan3A_71 = arith.constant 0 : i32
      scf.yield %scan3A_71 : i32
    }
    %scan3A_60 = arith.constant 3 : i32
    %eq3A_61 = arith.constant 0 : i32
    %eq3A_62 = arith.cmpi eq, %arg1, %eq3A_61 : i32
    %convert_element_type3A_63 = arith.extui %eq3A_62 : i1 to i32
    %cond3A_64 = arith.constant 0 : i32
    %cond3A_65 = arith.cmpi ne, %convert_element_type3A_63, %cond3A_64 : i32
    scf.if %cond3A_65 {
      "tpu.region"() ({
        %run_scoped3A = tpu.sem_alloc : memref<!tpu.dma_semaphore, #tpu.memory_space<semaphore_mem>>
        %dma_start3A = arith.constant 9984 : i32
        %dma_start3A_66 = arith.constant 0 : i32
        %dma_start3A_67 = tpu.memref_slice %arg7[%arg0, %dma_start3A, %dma_start3A_66] : memref<2x10000x128xf32, #tpu.memory_space<hbm>> -> memref<1x16x128xf32, #tpu.memory_space<hbm>>
        %dma_start3A_68 = tpu.memref_squeeze %dma_start3A_67 : memref<1x16x128xf32, #tpu.memory_space<hbm>> -> memref<16x128xf32, #tpu.memory_space<hbm>>
        %dma_start3A_69 = arith.constant 9984 : i32
        %dma_start3A_70 = arith.constant 0 : i32
        %dma_start3A_71 = tpu.memref_slice %arg13[%dma_start3A_69, %dma_start3A_70] : memref<10008x128xf32, #tpu.memory_space<vmem_shared>> -> memref<16x128xf32, #tpu.memory_space<vmem_shared>>
        tpu.enqueue_dma source(%dma_start3A_71 : memref<16x128xf32, #tpu.memory_space<vmem_shared>>) target(%dma_start3A_68 : memref<16x128xf32, #tpu.memory_space<hbm>>) target_semaphore(%run_scoped3A : memref<!tpu.dma_semaphore, #tpu.memory_space<semaphore_mem>>)
        %dma_wait3A = arith.constant 9984 : i32
        %dma_wait3A_72 = arith.constant 0 : i32
        %dma_wait3A_73 = tpu.memref_slice %arg7[%arg0, %dma_wait3A, %dma_wait3A_72] : memref<2x10000x128xf32, #tpu.memory_space<hbm>> -> memref<1x16x128xf32, #tpu.memory_space<hbm>>
        %dma_wait3A_74 = tpu.memref_squeeze %dma_wait3A_73 : memref<1x16x128xf32, #tpu.memory_space<hbm>> -> memref<16x128xf32, #tpu.memory_space<hbm>>
        %dma_wait3A_75 = arith.constant 9984 : i32
        %dma_wait3A_76 = arith.constant 0 : i32
        %dma_wait3A_77 = tpu.memref_slice %arg13[%dma_wait3A_75, %dma_wait3A_76] : memref<10008x128xf32, #tpu.memory_space<vmem_shared>> -> memref<16x128xf32, #tpu.memory_space<vmem_shared>>
        tpu.wait_dma2 semaphore(%run_scoped3A : memref<!tpu.dma_semaphore, #tpu.memory_space<semaphore_mem>>) src(%dma_wait3A_77 : memref<16x128xf32, #tpu.memory_space<vmem_shared>>) dst(%dma_wait3A_74 : memref<16x128xf32, #tpu.memory_space<hbm>>)
        tpu.yield
      }) : () -> ()
    } else {
    }
    return
  }
}

#map = affine_map<(d0, d1) -> (0, 0)>
#map1 = affine_map<(d0, d1) -> (0, 0, 0)>
module attributes {stable_mosaic.version = 14 : i64} {
  func.func @body(%arg0: i32, %arg1: i32, %arg2: memref<10000x128xf32, #tpu.memory_space<hbm>>, %arg3: memref<2560x128xi32, #tpu.memory_space<hbm>>, %arg4: memref<2560x128xi32, #tpu.memory_space<hbm>>, %arg5: memref<10008x128xf32, #tpu.memory_space<hbm>>, %arg6: memref<2x10000x128xf32, #tpu.memory_space<hbm>>, %arg7: memref<40x128xi32, #tpu.memory_space<vmem>>, %arg8: memref<40x128xi32, #tpu.memory_space<vmem>>, %arg9: memref<128x128xf32, #tpu.memory_space<vmem>>, %arg10: memref<128x128xf32, #tpu.memory_space<vmem>>, %arg11: memref<10008x128xf32, #tpu.memory_space<vmem_shared>>, %arg12: memref<!tpu.dma_semaphore, #tpu.memory_space<semaphore_mem>>, %arg13: memref<!tpu.dma_semaphore, #tpu.memory_space<semaphore_mem>>) attributes {dimension_semantics = [#tpu.dimension_semantics<core_parallel>, #tpu.dimension_semantics<subcore_parallel>], iteration_bounds = array<i64: 2, 16>, scalar_prefetch = 0 : i64, scratch_operands = 7 : i64, tpu.core_type = #tpu.core_type<sc_vector_subcore>, window_params = [{transform_indices = #map}, {transform_indices = #map}, {transform_indices = #map}, {transform_indices = #map}, {transform_indices = #map1}]} {
    %mul3A = arith.constant 624 : i32
    %mul3A_0 = arith.muli %arg1, %mul3A : i32
    %mul3A_1 = arith.constant 16 : i32
    %mul3A_2 = arith.muli %arg0, %mul3A_1 : i32
    %add3A = arith.addi %mul3A_2, %arg1 : i32
    %mul3A_3 = arith.constant 80 : i32
    %mul3A_4 = arith.muli %add3A, %mul3A_3 : i32
    %scan3A = arith.constant 0 : i32
    %scan3A_5 = arith.constant 0 : i32
    %scan3A_6 = arith.constant 3 : i32
    %scan3A_7 = arith.addi %scan3A_5, %scan3A_6 : i32
    %scan3A_8 = arith.constant 1 : i32
    %scan3A_9 = scf.for %scan3A_33 = %scan3A_5 to %scan3A_7 step %scan3A_8 iter_args(%scan3A_34 = %scan3A) -> (i32)  : i32 {
      %mul3A_35 = arith.constant 208 : i32
      %mul3A_36 = arith.muli %scan3A_33, %mul3A_35 : i32
      %add3A_37 = arith.addi %mul3A_0, %mul3A_36 : i32
      "tpu.region"() ({
        %run_scoped3A = tpu.sem_alloc : memref<!tpu.dma_semaphore, #tpu.memory_space<semaphore_mem>>
        %dma_start3A = arith.constant 0 : i32
        %dma_start3A_39 = tpu.memref_slice %arg11[%add3A_37, %dma_start3A] : memref<10008x128xf32, #tpu.memory_space<vmem_shared>> -> memref<208x128xf32, #tpu.memory_space<vmem_shared>>
        %dma_start3A_40 = arith.constant 0 : i32
        %dma_start3A_41 = tpu.memref_slice %arg5[%add3A_37, %dma_start3A_40] : memref<10008x128xf32, #tpu.memory_space<hbm>> -> memref<208x128xf32, #tpu.memory_space<hbm>>
        tpu.enqueue_dma source(%dma_start3A_41 : memref<208x128xf32, #tpu.memory_space<hbm>>) target(%dma_start3A_39 : memref<208x128xf32, #tpu.memory_space<vmem_shared>>) target_semaphore(%run_scoped3A : memref<!tpu.dma_semaphore, #tpu.memory_space<semaphore_mem>>)
        %dma_wait3A = arith.constant 0 : i32
        %dma_wait3A_42 = tpu.memref_slice %arg11[%add3A_37, %dma_wait3A] : memref<10008x128xf32, #tpu.memory_space<vmem_shared>> -> memref<208x128xf32, #tpu.memory_space<vmem_shared>>
        %dma_wait3A_43 = arith.constant 0 : i32
        %dma_wait3A_44 = tpu.memref_slice %arg5[%add3A_37, %dma_wait3A_43] : memref<10008x128xf32, #tpu.memory_space<hbm>> -> memref<208x128xf32, #tpu.memory_space<hbm>>
        tpu.wait_dma2 semaphore(%run_scoped3A : memref<!tpu.dma_semaphore, #tpu.memory_space<semaphore_mem>>) src(%dma_wait3A_44 : memref<208x128xf32, #tpu.memory_space<hbm>>) dst(%dma_wait3A_42 : memref<208x128xf32, #tpu.memory_space<vmem_shared>>)
        tpu.yield
      }) : () -> ()
      %scan3A_38 = arith.constant 0 : i32
      scf.yield %scan3A_38 : i32
    }
    %scan3A_10 = arith.constant 3 : i32
    %eq3A = arith.constant 0 : i32
    %eq3A_11 = arith.cmpi eq, %arg1, %eq3A : i32
    %convert_element_type3A = arith.extui %eq3A_11 : i1 to i32
    %cond3A = arith.constant 0 : i32
    %cond3A_12 = arith.cmpi ne, %convert_element_type3A, %cond3A : i32
    scf.if %cond3A_12 {
      "tpu.region"() ({
        %run_scoped3A = tpu.sem_alloc : memref<!tpu.dma_semaphore, #tpu.memory_space<semaphore_mem>>
        %dma_start3A = arith.constant 9984 : i32
        %dma_start3A_33 = arith.constant 0 : i32
        %dma_start3A_34 = tpu.memref_slice %arg11[%dma_start3A, %dma_start3A_33] : memref<10008x128xf32, #tpu.memory_space<vmem_shared>> -> memref<24x128xf32, #tpu.memory_space<vmem_shared>>
        %dma_start3A_35 = arith.constant 9984 : i32
        %dma_start3A_36 = arith.constant 0 : i32
        %dma_start3A_37 = tpu.memref_slice %arg5[%dma_start3A_35, %dma_start3A_36] : memref<10008x128xf32, #tpu.memory_space<hbm>> -> memref<24x128xf32, #tpu.memory_space<hbm>>
        tpu.enqueue_dma source(%dma_start3A_37 : memref<24x128xf32, #tpu.memory_space<hbm>>) target(%dma_start3A_34 : memref<24x128xf32, #tpu.memory_space<vmem_shared>>) target_semaphore(%run_scoped3A : memref<!tpu.dma_semaphore, #tpu.memory_space<semaphore_mem>>)
        %dma_wait3A = arith.constant 9984 : i32
        %dma_wait3A_38 = arith.constant 0 : i32
        %dma_wait3A_39 = tpu.memref_slice %arg11[%dma_wait3A, %dma_wait3A_38] : memref<10008x128xf32, #tpu.memory_space<vmem_shared>> -> memref<24x128xf32, #tpu.memory_space<vmem_shared>>
        %dma_wait3A_40 = arith.constant 9984 : i32
        %dma_wait3A_41 = arith.constant 0 : i32
        %dma_wait3A_42 = tpu.memref_slice %arg5[%dma_wait3A_40, %dma_wait3A_41] : memref<10008x128xf32, #tpu.memory_space<hbm>> -> memref<24x128xf32, #tpu.memory_space<hbm>>
        tpu.wait_dma2 semaphore(%run_scoped3A : memref<!tpu.dma_semaphore, #tpu.memory_space<semaphore_mem>>) src(%dma_wait3A_42 : memref<24x128xf32, #tpu.memory_space<hbm>>) dst(%dma_wait3A_39 : memref<24x128xf32, #tpu.memory_space<vmem_shared>>)
        tpu.yield
      }) : () -> ()
    } else {
    }
    %barrier3A = arith.constant 0 : index
    tpu.barrier barrier_id(%barrier3A)
    %scan3A_13 = arith.constant 0 : i32
    %scan3A_14 = arith.constant 0 : i32
    %scan3A_15 = arith.constant 2 : i32
    %scan3A_16 = arith.addi %scan3A_14, %scan3A_15 : i32
    %scan3A_17 = arith.constant 1 : i32
    %scan3A_18 = scf.for %scan3A_33 = %scan3A_14 to %scan3A_16 step %scan3A_17 iter_args(%scan3A_34 = %scan3A_13) -> (i32)  : i32 {
      %mul3A_35 = arith.constant 40 : i32
      %mul3A_36 = arith.muli %scan3A_33, %mul3A_35 : i32
      %add3A_37 = arith.addi %mul3A_4, %mul3A_36 : i32
      "tpu.region"() ({
        %run_scoped3A = tpu.sem_alloc : memref<!tpu.dma_semaphore, #tpu.memory_space<semaphore_mem>>
        %dma_start3A = arith.constant 0 : i32
        %dma_start3A_46 = tpu.memref_slice %arg3[%add3A_37, %dma_start3A] : memref<2560x128xi32, #tpu.memory_space<hbm>> -> memref<40x128xi32, #tpu.memory_space<hbm>>
        %dma_start3A_47 = arith.constant 0 : i32
        %dma_start3A_48 = tpu.memref_slice %arg3[%add3A_37, %dma_start3A_47] : memref<2560x128xi32, #tpu.memory_space<hbm>> -> memref<40x128xi32, #tpu.memory_space<hbm>>
        tpu.enqueue_dma source(%dma_start3A_48 : memref<40x128xi32, #tpu.memory_space<hbm>>) target(%arg7 : memref<40x128xi32, #tpu.memory_space<vmem>>) target_semaphore(%run_scoped3A : memref<!tpu.dma_semaphore, #tpu.memory_space<semaphore_mem>>)
        %dma_wait3A = arith.constant 0 : i32
        %dma_wait3A_49 = tpu.memref_slice %arg3[%add3A_37, %dma_wait3A] : memref<2560x128xi32, #tpu.memory_space<hbm>> -> memref<40x128xi32, #tpu.memory_space<hbm>>
        %dma_wait3A_50 = arith.constant 0 : i32
        %dma_wait3A_51 = tpu.memref_slice %arg3[%add3A_37, %dma_wait3A_50] : memref<2560x128xi32, #tpu.memory_space<hbm>> -> memref<40x128xi32, #tpu.memory_space<hbm>>
        tpu.wait_dma2 semaphore(%run_scoped3A : memref<!tpu.dma_semaphore, #tpu.memory_space<semaphore_mem>>) src(%dma_wait3A_51 : memref<40x128xi32, #tpu.memory_space<hbm>>) dst(%arg7 : memref<40x128xi32, #tpu.memory_space<vmem>>)
        tpu.yield
      }) : () -> ()
      "tpu.region"() ({
        %run_scoped3A = tpu.sem_alloc : memref<!tpu.dma_semaphore, #tpu.memory_space<semaphore_mem>>
        %dma_start3A = arith.constant 0 : i32
        %dma_start3A_46 = tpu.memref_slice %arg4[%add3A_37, %dma_start3A] : memref<2560x128xi32, #tpu.memory_space<hbm>> -> memref<40x128xi32, #tpu.memory_space<hbm>>
        %dma_start3A_47 = arith.constant 0 : i32
        %dma_start3A_48 = tpu.memref_slice %arg4[%add3A_37, %dma_start3A_47] : memref<2560x128xi32, #tpu.memory_space<hbm>> -> memref<40x128xi32, #tpu.memory_space<hbm>>
        tpu.enqueue_dma source(%dma_start3A_48 : memref<40x128xi32, #tpu.memory_space<hbm>>) target(%arg8 : memref<40x128xi32, #tpu.memory_space<vmem>>) target_semaphore(%run_scoped3A : memref<!tpu.dma_semaphore, #tpu.memory_space<semaphore_mem>>)
        %dma_wait3A = arith.constant 0 : i32
        %dma_wait3A_49 = tpu.memref_slice %arg4[%add3A_37, %dma_wait3A] : memref<2560x128xi32, #tpu.memory_space<hbm>> -> memref<40x128xi32, #tpu.memory_space<hbm>>
        %dma_wait3A_50 = arith.constant 0 : i32
        %dma_wait3A_51 = tpu.memref_slice %arg4[%add3A_37, %dma_wait3A_50] : memref<2560x128xi32, #tpu.memory_space<hbm>> -> memref<40x128xi32, #tpu.memory_space<hbm>>
        tpu.wait_dma2 semaphore(%run_scoped3A : memref<!tpu.dma_semaphore, #tpu.memory_space<semaphore_mem>>) src(%dma_wait3A_51 : memref<40x128xi32, #tpu.memory_space<hbm>>) dst(%arg8 : memref<40x128xi32, #tpu.memory_space<vmem>>)
        tpu.yield
      }) : () -> ()
      %scan3A_38 = arith.constant 0 : i32
      %scan3A_39 = arith.constant 0 : i32
      %scan3A_40 = arith.constant 20 : i32
      %scan3A_41 = arith.addi %scan3A_39, %scan3A_40 : i32
      %scan3A_42 = arith.constant 1 : i32
      %scan3A_43 = scf.for %scan3A_46 = %scan3A_39 to %scan3A_41 step %scan3A_42 iter_args(%scan3A_47 = %scan3A_38) -> (i32)  : i32 {
        %mul3A_48 = arith.constant 2 : i32
        %mul3A_49 = arith.muli %mul3A_48, %scan3A_46 : i32
        %dma_start3A = arith.constant 0 : i32
        %dma_start3A_50 = tpu.memref_slice %arg7[%mul3A_49, %dma_start3A] : memref<40x128xi32, #tpu.memory_space<vmem>> -> memref<1x128xi32, #tpu.memory_space<vmem>>
        %dma_start3A_51 = tpu.memref_squeeze %dma_start3A_50 : memref<1x128xi32, #tpu.memory_space<vmem>> -> memref<128xi32, #tpu.memory_space<vmem>>
        %dma_start3A_52 = arith.constant 0 : i32
        %dma_start3A_53 = arith.constant 0 : i32
        %dma_start3A_54 = tpu.memref_slice %arg2[%dma_start3A_52, %dma_start3A_53] : memref<10000x128xf32, #tpu.memory_space<hbm>> -> memref<10000x128xf32, #tpu.memory_space<hbm>>
        tpu.enqueue_indirect_dma source(%dma_start3A_54 : memref<10000x128xf32, #tpu.memory_space<hbm>>) target(%arg9 : memref<128x128xf32, #tpu.memory_space<vmem>>) offsets(%dma_start3A_51 : memref<128xi32, #tpu.memory_space<vmem>>) semaphore(%arg12 : memref<!tpu.dma_semaphore, #tpu.memory_space<semaphore_mem>>)
        %add3A_55 = arith.constant 1 : i32
        %add3A_56 = arith.addi %mul3A_49, %add3A_55 : i32
        %dma_start3A_57 = arith.constant 0 : i32
        %dma_start3A_58 = tpu.memref_slice %arg7[%add3A_56, %dma_start3A_57] : memref<40x128xi32, #tpu.memory_space<vmem>> -> memref<1x128xi32, #tpu.memory_space<vmem>>
        %dma_start3A_59 = tpu.memref_squeeze %dma_start3A_58 : memref<1x128xi32, #tpu.memory_space<vmem>> -> memref<128xi32, #tpu.memory_space<vmem>>
        %dma_start3A_60 = arith.constant 0 : i32
        %dma_start3A_61 = arith.constant 0 : i32
        %dma_start3A_62 = tpu.memref_slice %arg2[%dma_start3A_60, %dma_start3A_61] : memref<10000x128xf32, #tpu.memory_space<hbm>> -> memref<10000x128xf32, #tpu.memory_space<hbm>>
        tpu.enqueue_indirect_dma source(%dma_start3A_62 : memref<10000x128xf32, #tpu.memory_space<hbm>>) target(%arg10 : memref<128x128xf32, #tpu.memory_space<vmem>>) offsets(%dma_start3A_59 : memref<128xi32, #tpu.memory_space<vmem>>) semaphore(%arg13 : memref<!tpu.dma_semaphore, #tpu.memory_space<semaphore_mem>>)
        %dma_wait3A = arith.constant 0 : i32
        %dma_wait3A_63 = tpu.memref_slice %arg7[%mul3A_49, %dma_wait3A] : memref<40x128xi32, #tpu.memory_space<vmem>> -> memref<1x128xi32, #tpu.memory_space<vmem>>
        %dma_wait3A_64 = tpu.memref_squeeze %dma_wait3A_63 : memref<1x128xi32, #tpu.memory_space<vmem>> -> memref<128xi32, #tpu.memory_space<vmem>>
        %dma_wait3A_65 = arith.constant 0 : i32
        %dma_wait3A_66 = arith.constant 0 : i32
        %dma_wait3A_67 = tpu.memref_slice %arg2[%dma_wait3A_65, %dma_wait3A_66] : memref<10000x128xf32, #tpu.memory_space<hbm>> -> memref<10000x128xf32, #tpu.memory_space<hbm>>
        tpu.wait_indirect_dma semaphore(%arg12 : memref<!tpu.dma_semaphore, #tpu.memory_space<semaphore_mem>>) src(%dma_wait3A_67 : memref<10000x128xf32, #tpu.memory_space<hbm>>) dst(%arg9 : memref<128x128xf32, #tpu.memory_space<vmem>>)
        "tpu.region"() ({
          %run_scoped3A = tpu.sem_alloc : memref<!tpu.dma_semaphore, #tpu.memory_space<semaphore_mem>>
          %dma_start3A_77 = arith.constant 0 : i32
          %dma_start3A_78 = tpu.memref_slice %arg8[%mul3A_49, %dma_start3A_77] : memref<40x128xi32, #tpu.memory_space<vmem>> -> memref<1x128xi32, #tpu.memory_space<vmem>>
          %dma_start3A_79 = tpu.memref_squeeze %dma_start3A_78 : memref<1x128xi32, #tpu.memory_space<vmem>> -> memref<128xi32, #tpu.memory_space<vmem>>
          %dma_start3A_80 = arith.constant 0 : i32
          %dma_start3A_81 = arith.constant 0 : i32
          %dma_start3A_82 = tpu.memref_slice %arg11[%dma_start3A_80, %dma_start3A_81] : memref<10008x128xf32, #tpu.memory_space<vmem_shared>> -> memref<10008x128xf32, #tpu.memory_space<vmem_shared>>
          tpu.enqueue_indirect_dma source(%arg9 : memref<128x128xf32, #tpu.memory_space<vmem>>) target(%dma_start3A_82 : memref<10008x128xf32, #tpu.memory_space<vmem_shared>>) offsets(%dma_start3A_79 : memref<128xi32, #tpu.memory_space<vmem>>) semaphore(%run_scoped3A : memref<!tpu.dma_semaphore, #tpu.memory_space<semaphore_mem>>) {add = true}
          %dma_wait3A_83 = arith.constant 0 : i32
          %dma_wait3A_84 = tpu.memref_slice %arg8[%mul3A_49, %dma_wait3A_83] : memref<40x128xi32, #tpu.memory_space<vmem>> -> memref<1x128xi32, #tpu.memory_space<vmem>>
          %dma_wait3A_85 = tpu.memref_squeeze %dma_wait3A_84 : memref<1x128xi32, #tpu.memory_space<vmem>> -> memref<128xi32, #tpu.memory_space<vmem>>
          %dma_wait3A_86 = arith.constant 0 : i32
          %dma_wait3A_87 = arith.constant 0 : i32
          %dma_wait3A_88 = tpu.memref_slice %arg11[%dma_wait3A_86, %dma_wait3A_87] : memref<10008x128xf32, #tpu.memory_space<vmem_shared>> -> memref<10008x128xf32, #tpu.memory_space<vmem_shared>>
          tpu.wait_indirect_dma semaphore(%run_scoped3A : memref<!tpu.dma_semaphore, #tpu.memory_space<semaphore_mem>>) src(%arg9 : memref<128x128xf32, #tpu.memory_space<vmem>>) dst(%dma_wait3A_88 : memref<10008x128xf32, #tpu.memory_space<vmem_shared>>)
          tpu.yield
        }) : () -> ()
        %dma_wait3A_68 = arith.constant 0 : i32
        %dma_wait3A_69 = tpu.memref_slice %arg7[%add3A_56, %dma_wait3A_68] : memref<40x128xi32, #tpu.memory_space<vmem>> -> memref<1x128xi32, #tpu.memory_space<vmem>>
        %dma_wait3A_70 = tpu.memref_squeeze %dma_wait3A_69 : memref<1x128xi32, #tpu.memory_space<vmem>> -> memref<128xi32, #tpu.memory_space<vmem>>
        %dma_wait3A_71 = arith.constant 0 : i32
        %dma_wait3A_72 = arith.constant 0 : i32
        %dma_wait3A_73 = tpu.memref_slice %arg2[%dma_wait3A_71, %dma_wait3A_72] : memref<10000x128xf32, #tpu.memory_space<hbm>> -> memref<10000x128xf32, #tpu.memory_space<hbm>>
        tpu.wait_indirect_dma semaphore(%arg13 : memref<!tpu.dma_semaphore, #tpu.memory_space<semaphore_mem>>) src(%dma_wait3A_73 : memref<10000x128xf32, #tpu.memory_space<hbm>>) dst(%arg10 : memref<128x128xf32, #tpu.memory_space<vmem>>)
        %add3A_74 = arith.constant 1 : i32
        %add3A_75 = arith.addi %mul3A_49, %add3A_74 : i32
        "tpu.region"() ({
          %run_scoped3A = tpu.sem_alloc : memref<!tpu.dma_semaphore, #tpu.memory_space<semaphore_mem>>
          %dma_start3A_77 = arith.constant 0 : i32
          %dma_start3A_78 = tpu.memref_slice %arg8[%add3A_75, %dma_start3A_77] : memref<40x128xi32, #tpu.memory_space<vmem>> -> memref<1x128xi32, #tpu.memory_space<vmem>>
          %dma_start3A_79 = tpu.memref_squeeze %dma_start3A_78 : memref<1x128xi32, #tpu.memory_space<vmem>> -> memref<128xi32, #tpu.memory_space<vmem>>
          %dma_start3A_80 = arith.constant 0 : i32
          %dma_start3A_81 = arith.constant 0 : i32
          %dma_start3A_82 = tpu.memref_slice %arg11[%dma_start3A_80, %dma_start3A_81] : memref<10008x128xf32, #tpu.memory_space<vmem_shared>> -> memref<10008x128xf32, #tpu.memory_space<vmem_shared>>
          tpu.enqueue_indirect_dma source(%arg10 : memref<128x128xf32, #tpu.memory_space<vmem>>) target(%dma_start3A_82 : memref<10008x128xf32, #tpu.memory_space<vmem_shared>>) offsets(%dma_start3A_79 : memref<128xi32, #tpu.memory_space<vmem>>) semaphore(%run_scoped3A : memref<!tpu.dma_semaphore, #tpu.memory_space<semaphore_mem>>) {add = true}
          %dma_wait3A_83 = arith.constant 0 : i32
          %dma_wait3A_84 = tpu.memref_slice %arg8[%add3A_75, %dma_wait3A_83] : memref<40x128xi32, #tpu.memory_space<vmem>> -> memref<1x128xi32, #tpu.memory_space<vmem>>
          %dma_wait3A_85 = tpu.memref_squeeze %dma_wait3A_84 : memref<1x128xi32, #tpu.memory_space<vmem>> -> memref<128xi32, #tpu.memory_space<vmem>>
          %dma_wait3A_86 = arith.constant 0 : i32
          %dma_wait3A_87 = arith.constant 0 : i32
          %dma_wait3A_88 = tpu.memref_slice %arg11[%dma_wait3A_86, %dma_wait3A_87] : memref<10008x128xf32, #tpu.memory_space<vmem_shared>> -> memref<10008x128xf32, #tpu.memory_space<vmem_shared>>
          tpu.wait_indirect_dma semaphore(%run_scoped3A : memref<!tpu.dma_semaphore, #tpu.memory_space<semaphore_mem>>) src(%arg10 : memref<128x128xf32, #tpu.memory_space<vmem>>) dst(%dma_wait3A_88 : memref<10008x128xf32, #tpu.memory_space<vmem_shared>>)
          tpu.yield
        }) : () -> ()
        %scan3A_76 = arith.constant 0 : i32
        scf.yield %scan3A_76 : i32
      }
      %scan3A_44 = arith.constant 20 : i32
      %scan3A_45 = arith.constant 0 : i32
      scf.yield %scan3A_45 : i32
    }
    %scan3A_19 = arith.constant 2 : i32
    %barrier3A_20 = arith.constant 0 : index
    tpu.barrier barrier_id(%barrier3A_20)
    %scan3A_21 = arith.constant 0 : i32
    %scan3A_22 = arith.constant 0 : i32
    %scan3A_23 = arith.constant 3 : i32
    %scan3A_24 = arith.addi %scan3A_22, %scan3A_23 : i32
    %scan3A_25 = arith.constant 1 : i32
    %scan3A_26 = scf.for %scan3A_33 = %scan3A_22 to %scan3A_24 step %scan3A_25 iter_args(%scan3A_34 = %scan3A_21) -> (i32)  : i32 {
      %mul3A_35 = arith.constant 208 : i32
      %mul3A_36 = arith.muli %scan3A_33, %mul3A_35 : i32
      %add3A_37 = arith.addi %mul3A_0, %mul3A_36 : i32
      "tpu.region"() ({
        %run_scoped3A = tpu.sem_alloc : memref<!tpu.dma_semaphore, #tpu.memory_space<semaphore_mem>>
        %dma_start3A = arith.constant 0 : i32
        %dma_start3A_39 = tpu.memref_slice %arg6[%arg0, %add3A_37, %dma_start3A] : memref<2x10000x128xf32, #tpu.memory_space<hbm>> -> memref<1x208x128xf32, #tpu.memory_space<hbm>>
        %dma_start3A_40 = tpu.memref_squeeze %dma_start3A_39 : memref<1x208x128xf32, #tpu.memory_space<hbm>> -> memref<208x128xf32, #tpu.memory_space<hbm>>
        %dma_start3A_41 = arith.constant 0 : i32
        %dma_start3A_42 = tpu.memref_slice %arg11[%add3A_37, %dma_start3A_41] : memref<10008x128xf32, #tpu.memory_space<vmem_shared>> -> memref<208x128xf32, #tpu.memory_space<vmem_shared>>
        tpu.enqueue_dma source(%dma_start3A_42 : memref<208x128xf32, #tpu.memory_space<vmem_shared>>) target(%dma_start3A_40 : memref<208x128xf32, #tpu.memory_space<hbm>>) target_semaphore(%run_scoped3A : memref<!tpu.dma_semaphore, #tpu.memory_space<semaphore_mem>>)
        %dma_wait3A = arith.constant 0 : i32
        %dma_wait3A_43 = tpu.memref_slice %arg6[%arg0, %add3A_37, %dma_wait3A] : memref<2x10000x128xf32, #tpu.memory_space<hbm>> -> memref<1x208x128xf32, #tpu.memory_space<hbm>>
        %dma_wait3A_44 = tpu.memref_squeeze %dma_wait3A_43 : memref<1x208x128xf32, #tpu.memory_space<hbm>> -> memref<208x128xf32, #tpu.memory_space<hbm>>
        %dma_wait3A_45 = arith.constant 0 : i32
        %dma_wait3A_46 = tpu.memref_slice %arg11[%add3A_37, %dma_wait3A_45] : memref<10008x128xf32, #tpu.memory_space<vmem_shared>> -> memref<208x128xf32, #tpu.memory_space<vmem_shared>>
        tpu.wait_dma2 semaphore(%run_scoped3A : memref<!tpu.dma_semaphore, #tpu.memory_space<semaphore_mem>>) src(%dma_wait3A_46 : memref<208x128xf32, #tpu.memory_space<vmem_shared>>) dst(%dma_wait3A_44 : memref<208x128xf32, #tpu.memory_space<hbm>>)
        tpu.yield
      }) : () -> ()
      %scan3A_38 = arith.constant 0 : i32
      scf.yield %scan3A_38 : i32
    }
    %scan3A_27 = arith.constant 3 : i32
    %eq3A_28 = arith.constant 0 : i32
    %eq3A_29 = arith.cmpi eq, %arg1, %eq3A_28 : i32
    %convert_element_type3A_30 = arith.extui %eq3A_29 : i1 to i32
    %cond3A_31 = arith.constant 0 : i32
    %cond3A_32 = arith.cmpi ne, %convert_element_type3A_30, %cond3A_31 : i32
    scf.if %cond3A_32 {
      "tpu.region"() ({
        %run_scoped3A = tpu.sem_alloc : memref<!tpu.dma_semaphore, #tpu.memory_space<semaphore_mem>>
        %dma_start3A = arith.constant 9984 : i32
        %dma_start3A_33 = arith.constant 0 : i32
        %dma_start3A_34 = tpu.memref_slice %arg6[%arg0, %dma_start3A, %dma_start3A_33] : memref<2x10000x128xf32, #tpu.memory_space<hbm>> -> memref<1x16x128xf32, #tpu.memory_space<hbm>>
        %dma_start3A_35 = tpu.memref_squeeze %dma_start3A_34 : memref<1x16x128xf32, #tpu.memory_space<hbm>> -> memref<16x128xf32, #tpu.memory_space<hbm>>
        %dma_start3A_36 = arith.constant 9984 : i32
        %dma_start3A_37 = arith.constant 0 : i32
        %dma_start3A_38 = tpu.memref_slice %arg11[%dma_start3A_36, %dma_start3A_37] : memref<10008x128xf32, #tpu.memory_space<vmem_shared>> -> memref<16x128xf32, #tpu.memory_space<vmem_shared>>
        tpu.enqueue_dma source(%dma_start3A_38 : memref<16x128xf32, #tpu.memory_space<vmem_shared>>) target(%dma_start3A_35 : memref<16x128xf32, #tpu.memory_space<hbm>>) target_semaphore(%run_scoped3A : memref<!tpu.dma_semaphore, #tpu.memory_space<semaphore_mem>>)
        %dma_wait3A = arith.constant 9984 : i32
        %dma_wait3A_39 = arith.constant 0 : i32
        %dma_wait3A_40 = tpu.memref_slice %arg6[%arg0, %dma_wait3A, %dma_wait3A_39] : memref<2x10000x128xf32, #tpu.memory_space<hbm>> -> memref<1x16x128xf32, #tpu.memory_space<hbm>>
        %dma_wait3A_41 = tpu.memref_squeeze %dma_wait3A_40 : memref<1x16x128xf32, #tpu.memory_space<hbm>> -> memref<16x128xf32, #tpu.memory_space<hbm>>
        %dma_wait3A_42 = arith.constant 9984 : i32
        %dma_wait3A_43 = arith.constant 0 : i32
        %dma_wait3A_44 = tpu.memref_slice %arg11[%dma_wait3A_42, %dma_wait3A_43] : memref<10008x128xf32, #tpu.memory_space<vmem_shared>> -> memref<16x128xf32, #tpu.memory_space<vmem_shared>>
        tpu.wait_dma2 semaphore(%run_scoped3A : memref<!tpu.dma_semaphore, #tpu.memory_space<semaphore_mem>>) src(%dma_wait3A_44 : memref<16x128xf32, #tpu.memory_space<vmem_shared>>) dst(%dma_wait3A_41 : memref<16x128xf32, #tpu.memory_space<hbm>>)
        tpu.yield
      }) : () -> ()
    } else {
    }
    return
  }
}

module attributes {stable_mosaic.version = 14 : i64} {
  func.func @_norm_mm_body(%arg0: memref<10000x128xf32, #tpu.memory_space<vmem>>, %arg1: memref<128x128xf32, #tpu.memory_space<vmem>>, %arg2: memref<10000x128xf32, #tpu.memory_space<vmem>>) attributes {dimension_semantics = [], scalar_prefetch = 0 : i64, scratch_operands = 0 : i64, tpu.core_type = #tpu.core_type<tc>} {
    %get3A = arith.constant 0 : index
    %get3A_0 = arith.constant 0 : index
    %get3A_1 = vector.load %arg0[%get3A, %get3A_0] : memref<10000x128xf32, #tpu.memory_space<vmem>>, vector<10000x128xf32>
    %reduce_sum3A = arith.constant dense<0.000000e+00> : vector<128xf32>
    %reduce_sum3A_2 = vector.multi_reduction <add>, %get3A_1, %reduce_sum3A [0] : vector<10000x128xf32> to vector<128xf32>
    %broadcast_in_dim3A = vector.shape_cast %reduce_sum3A_2 : vector<128xf32> to vector<1x128xf32>
    %div3A = arith.constant 1.000000e+04 : f32
    %div3A_3 = vector.broadcast %div3A : f32 to vector<1x128xf32>
    %div3A_4 = arith.divf %broadcast_in_dim3A, %div3A_3 : vector<1x128xf32>
    %sub3A = vector.broadcast %div3A_4 : vector<1x128xf32> to vector<10000x128xf32>
    %sub3A_5 = arith.subf %get3A_1, %sub3A : vector<10000x128xf32>
    %sub3A_6 = vector.broadcast %div3A_4 : vector<1x128xf32> to vector<10000x128xf32>
    %sub3A_7 = arith.subf %get3A_1, %sub3A_6 : vector<10000x128xf32>
    %mul3A = arith.mulf %sub3A_5, %sub3A_7 : vector<10000x128xf32>
    %reduce_sum3A_8 = arith.constant dense<0.000000e+00> : vector<128xf32>
    %reduce_sum3A_9 = vector.multi_reduction <add>, %mul3A, %reduce_sum3A_8 [0] : vector<10000x128xf32> to vector<128xf32>
    %broadcast_in_dim3A_10 = vector.shape_cast %reduce_sum3A_9 : vector<128xf32> to vector<1x128xf32>
    %div3A_11 = arith.constant 1.000000e+04 : f32
    %div3A_12 = vector.broadcast %div3A_11 : f32 to vector<1x128xf32>
    %div3A_13 = arith.divf %broadcast_in_dim3A_10, %div3A_12 : vector<1x128xf32>
    %sub3A_14 = vector.broadcast %div3A_4 : vector<1x128xf32> to vector<10000x128xf32>
    %sub3A_15 = arith.subf %get3A_1, %sub3A_14 : vector<10000x128xf32>
    %add3A = arith.constant 9.99999974E-6 : f32
    %add3A_16 = vector.broadcast %add3A : f32 to vector<1x128xf32>
    %add3A_17 = arith.addf %div3A_13, %add3A_16 : vector<1x128xf32>
    %rsqrt3A = math.rsqrt %add3A_17 : vector<1x128xf32>
    %mul3A_18 = vector.broadcast %rsqrt3A : vector<1x128xf32> to vector<10000x128xf32>
    %mul3A_19 = arith.mulf %sub3A_15, %mul3A_18 : vector<10000x128xf32>
    %get3A_20 = arith.constant 0 : index
    %get3A_21 = arith.constant 0 : index
    %get3A_22 = vector.load %arg1[%get3A_20, %get3A_21] : memref<128x128xf32, #tpu.memory_space<vmem>>, vector<128x128xf32>
    %dot_general3A = arith.constant dense<0.000000e+00> : vector<10000x128xf32>
    %dot_general3A_23 = tpu.matmul %mul3A_19, %get3A_22, %dot_general3A {dimension_numbers = #tpu.dot_dimension_numbers<[1], [0], [0], [1], [0, 0, 1, 1], [], []>, transpose_lhs_hint = false} : vector<10000x128xf32>, vector<128x128xf32>, vector<10000x128xf32> -> vector<10000x128xf32>
    %swap3A = arith.constant 0 : index
    %swap3A_24 = arith.constant 0 : index
    %swap3A_25 = vector.load %arg2[%swap3A, %swap3A_24] : memref<10000x128xf32, #tpu.memory_space<vmem>>, vector<10000x128xf32>
    tpu.vector_store %arg2[%swap3A, %swap3A_24], %dot_general3A_23 {strides = array<i32>} : memref<10000x128xf32, #tpu.memory_space<vmem>>, vector<10000x128xf32>,
    return
  }
}

module attributes {stable_mosaic.version = 14 : i64} {
  func.func @_mid_body(%arg0: memref<2x10000x128xf32, #tpu.memory_space<vmem>>, %arg1: memref<2x10000x128xf32, #tpu.memory_space<vmem>>, %arg2: memref<10000x128xf32, #tpu.memory_space<vmem>>) attributes {dimension_semantics = [], scalar_prefetch = 0 : i64, scratch_operands = 0 : i64, tpu.core_type = #tpu.core_type<tc>} {
    %get3A = arith.constant 0 : index
    %get3A_0 = arith.constant 0 : index
    %get3A_1 = arith.constant 0 : index
    %get3A_2 = vector.load %arg1[%get3A, %get3A_0, %get3A_1] : memref<2x10000x128xf32, #tpu.memory_space<vmem>>, vector<1x10000x128xf32>
    %get3A_3 = vector.shape_cast %get3A_2 : vector<1x10000x128xf32> to vector<10000x128xf32>
    %slice3A = vector.extract_strided_slice %get3A_3 {offsets = [0, 0], sizes = [10000, 1], strides = [1, 1]} : vector<10000x128xf32> to vector<10000x1xf32>
    %get3A_4 = arith.constant 1 : index
    %get3A_5 = arith.constant 0 : index
    %get3A_6 = arith.constant 0 : index
    %get3A_7 = vector.load %arg1[%get3A_4, %get3A_5, %get3A_6] : memref<2x10000x128xf32, #tpu.memory_space<vmem>>, vector<1x10000x128xf32>
    %get3A_8 = vector.shape_cast %get3A_7 : vector<1x10000x128xf32> to vector<10000x128xf32>
    %slice3A_9 = vector.extract_strided_slice %get3A_8 {offsets = [0, 0], sizes = [10000, 1], strides = [1, 1]} : vector<10000x128xf32> to vector<10000x1xf32>
    %add3A = arith.addf %slice3A, %slice3A_9 : vector<10000x1xf32>
    %max3A = arith.constant 1.000000e+00 : f32
    %max3A_10 = vector.broadcast %max3A : f32 to vector<10000x1xf32>
    %max3A_11 = arith.maximumf %add3A, %max3A_10 : vector<10000x1xf32>
    %get3A_12 = arith.constant 0 : index
    %get3A_13 = arith.constant 0 : index
    %get3A_14 = arith.constant 0 : index
    %get3A_15 = vector.load %arg0[%get3A_12, %get3A_13, %get3A_14] : memref<2x10000x128xf32, #tpu.memory_space<vmem>>, vector<1x10000x128xf32>
    %get3A_16 = vector.shape_cast %get3A_15 : vector<1x10000x128xf32> to vector<10000x128xf32>
    %get3A_17 = arith.constant 1 : index
    %get3A_18 = arith.constant 0 : index
    %get3A_19 = arith.constant 0 : index
    %get3A_20 = vector.load %arg0[%get3A_17, %get3A_18, %get3A_19] : memref<2x10000x128xf32, #tpu.memory_space<vmem>>, vector<1x10000x128xf32>
    %get3A_21 = vector.shape_cast %get3A_20 : vector<1x10000x128xf32> to vector<10000x128xf32>
    %add3A_22 = arith.addf %get3A_16, %get3A_21 : vector<10000x128xf32>
    %div3A = vector.broadcast %max3A_11 : vector<10000x1xf32> to vector<10000x128xf32>
    %div3A_23 = arith.divf %add3A_22, %div3A : vector<10000x128xf32>
    %max3A_24 = arith.constant 0.000000e+00 : f32
    %max3A_25 = vector.broadcast %max3A_24 : f32 to vector<10000x128xf32>
    %max3A_26 = arith.maximumf %div3A_23, %max3A_25 : vector<10000x128xf32>
    %swap3A = arith.constant 0 : index
    %swap3A_27 = arith.constant 0 : index
    %swap3A_28 = vector.load %arg2[%swap3A, %swap3A_27] : memref<10000x128xf32, #tpu.memory_space<vmem>>, vector<10000x128xf32>
    tpu.vector_store %arg2[%swap3A, %swap3A_27], %max3A_26 {strides = array<i32>} : memref<10000x128xf32, #tpu.memory_space<vmem>>, vector<10000x128xf32>,
    return
  }
}

module attributes {stable_mosaic.version = 14 : i64} {
  func.func @_out_body(%arg0: memref<2x10000x128xf32, #tpu.memory_space<vmem>>, %arg1: memref<2x10000x128xf32, #tpu.memory_space<vmem>>, %arg2: memref<128x16xf32, #tpu.memory_space<vmem>>, %arg3: memref<10000x16xf32, #tpu.memory_space<vmem>>) attributes {dimension_semantics = [], scalar_prefetch = 0 : i64, scratch_operands = 0 : i64, tpu.core_type = #tpu.core_type<tc>} {
    %get3A = arith.constant 0 : index
    %get3A_0 = arith.constant 0 : index
    %get3A_1 = arith.constant 0 : index
    %get3A_2 = vector.load %arg1[%get3A, %get3A_0, %get3A_1] : memref<2x10000x128xf32, #tpu.memory_space<vmem>>, vector<1x10000x128xf32>
    %get3A_3 = vector.shape_cast %get3A_2 : vector<1x10000x128xf32> to vector<10000x128xf32>
    %slice3A = vector.extract_strided_slice %get3A_3 {offsets = [0, 0], sizes = [10000, 1], strides = [1, 1]} : vector<10000x128xf32> to vector<10000x1xf32>
    %get3A_4 = arith.constant 1 : index
    %get3A_5 = arith.constant 0 : index
    %get3A_6 = arith.constant 0 : index
    %get3A_7 = vector.load %arg1[%get3A_4, %get3A_5, %get3A_6] : memref<2x10000x128xf32, #tpu.memory_space<vmem>>, vector<1x10000x128xf32>
    %get3A_8 = vector.shape_cast %get3A_7 : vector<1x10000x128xf32> to vector<10000x128xf32>
    %slice3A_9 = vector.extract_strided_slice %get3A_8 {offsets = [0, 0], sizes = [10000, 1], strides = [1, 1]} : vector<10000x128xf32> to vector<10000x1xf32>
    %add3A = arith.addf %slice3A, %slice3A_9 : vector<10000x1xf32>
    %max3A = arith.constant 1.000000e+00 : f32
    %max3A_10 = vector.broadcast %max3A : f32 to vector<10000x1xf32>
    %max3A_11 = arith.maximumf %add3A, %max3A_10 : vector<10000x1xf32>
    %get3A_12 = arith.constant 0 : index
    %get3A_13 = arith.constant 0 : index
    %get3A_14 = arith.constant 0 : index
    %get3A_15 = vector.load %arg0[%get3A_12, %get3A_13, %get3A_14] : memref<2x10000x128xf32, #tpu.memory_space<vmem>>, vector<1x10000x128xf32>
    %get3A_16 = vector.shape_cast %get3A_15 : vector<1x10000x128xf32> to vector<10000x128xf32>
    %get3A_17 = arith.constant 1 : index
    %get3A_18 = arith.constant 0 : index
    %get3A_19 = arith.constant 0 : index
    %get3A_20 = vector.load %arg0[%get3A_17, %get3A_18, %get3A_19] : memref<2x10000x128xf32, #tpu.memory_space<vmem>>, vector<1x10000x128xf32>
    %get3A_21 = vector.shape_cast %get3A_20 : vector<1x10000x128xf32> to vector<10000x128xf32>
    %add3A_22 = arith.addf %get3A_16, %get3A_21 : vector<10000x128xf32>
    %div3A = vector.broadcast %max3A_11 : vector<10000x1xf32> to vector<10000x128xf32>
    %div3A_23 = arith.divf %add3A_22, %div3A : vector<10000x128xf32>
    %get3A_24 = arith.constant 0 : index
    %get3A_25 = arith.constant 0 : index
    %get3A_26 = vector.load %arg2[%get3A_24, %get3A_25] : memref<128x16xf32, #tpu.memory_space<vmem>>, vector<128x16xf32>
    %dot_general3A = arith.constant dense<0.000000e+00> : vector<10000x16xf32>
    %dot_general3A_27 = tpu.matmul %div3A_23, %get3A_26, %dot_general3A {dimension_numbers = #tpu.dot_dimension_numbers<[1], [0], [0], [1], [0, 0, 1, 1], [], []>, transpose_lhs_hint = false} : vector<10000x128xf32>, vector<128x16xf32>, vector<10000x16xf32> -> vector<10000x16xf32>
    %swap3A = arith.constant 0 : index
    %swap3A_28 = arith.constant 0 : index
    %swap3A_29 = vector.load %arg3[%swap3A, %swap3A_28] : memref<10000x16xf32, #tpu.memory_space<vmem>>, vector<10000x16xf32>
    tpu.vector_store %arg3[%swap3A, %swap3A_28], %dot_general3A_27 {strides = array<i32>} : memref<10000x16xf32, #tpu.memory_space<vmem>>, vector<10000x16xf32>,
    return
  }
}

</mosaic_0001>

<sc_bundles>
// kernel: kernel.10.cloned.1.call-start
scs
__scs_entry_jumppad:
0x0: {  	(pc) =	sbr.rel $0x88, $3  }
0x1: {  	(tag) =	ssettag $0x0;
	lr =	simm.s32 $0x1  }
0x2: {  	[smem:$0x3F9D] =	sst lr;
	_ =	strace $0xD0000000  }
0x3: {  	_ = 	snop  }
0x4: {  	_ = 	snop  }
0x5: {  	_ = 	snop  }
0x6: {  	_ = 	snop  }
0x7: {  	_ = 	snop  }
__scs_overlays_trampoline_lowered:
0x8: {  	[smem:$0x3FAC] =	sst s0  }
0x9: {  	[smem:$0x3FAD] =	sst s1  }
0xa: {  	[smem:$0x3FAE] =	sst s2  }
0xb: {  	[smem:$0x3FAF] =	sst s3  }
0xc: {  	[smem:$0x3FB0] =	sst s4  }
0xd: {  	[smem:$0x3FB1] =	sst s5  }
0xe: {  	[smem:$0x3FB2] =	sst s6  }
0xf: {  	[smem:$0x3FB3] =	sst s7  }
0x10: {  	[smem:$0x3FB4] =	sst s8  }
0x11: {  	[smem:$0x3FB5] =	sst s9;
	s0 =	simm.s32 @!p0 $0x0  }
0x12: {  	s1 =	sld [smem:$0x3F9B];
	s0 =	simm.s32 @p0 $0x1  }
0x13: {  	[smem:$0x3FB6] =	sst s0;
	s0 =	simm.s32 @!p1 $0x0  }
0x14: {  	s2 =	sld [smem:$0x3F9A];
	s0 =	simm.s32 @p1 $0x1  }
0x15: {  	[smem:$0x3FB7] =	sst s0;
	s0 =	simm.s32 @!p2 $0x0  }
0x16: {  	s3 =	sld [smem:$0x3FDB];
	s0 =	simm.s32 @p2 $0x1  }
0x17: {  	s4 =	simm.s32 $0x1BF5;
	[smem:$0x3FB9] =	sst s0  }
0x18: {  	s0 =	sld [smem:$0x3F9C];
	_ =	swait.ge [sflag:s4], $0x0  }
0x19: {  	s7 =	sld [smem:$0x3F9D]  }
0x1a: {  	s8 =	sadd.s32 $0xFFFFE003, lr  }
0x1b: {  	s9 =	sadd.s32 $0xFFFFFEF7, lr;
	s5 =	simm.s32 $0xFFFFFFFF;
	p2 =	slt.u32 s8, $0xFFFFF086  }
0x1c: {  	p1 =	slt.u32 s9, $0xF7A;
	s5 =	simm.s32 @!p2 $0x0  }
0x1d: {  	s5 =	simm.s32 @p1 $0x1;
	p0 =	seq.s32 s7, s2  }
0x1e: {  	s7 =	smul.u32 @!p0 $0xF7A, s2;
	p2 =	seq.s32 @!p0 s5, $0x0  }
0x1f: {  	s9 =	smul.u32 $0xF7A, s1;
	s8 =	simm.s32 @!p0 $0x1BF5;
	p2 =	por !p2, p0  }
0x20: {  	[sflag:s8] =	ssyncset.s32 @!p0 $0xFFFFF086;
	s6 =	sadd.s32 @!p0 s3, s7;
	s7 =	simm.s32 @!p0 $0x108  }
0x21: {  	s3 =	sadd.s32 s3, s9;
	s6 =	sadd.s32 @!p0 $0x88, s6;
	s7 =	simm.s32 @p2 $0x1082  }
0x22: {  	[simem:s7], [sflag:s8] =	dma.local @!p0 [hbm:s6], $0xF7A  }
0x23: {  	s9 =	sor.u32 $0xD0000000, s2;
	s6 =	simm.s32 $0x108;
	_ =	swait.ge @!p0 [sflag:s8], $0x0  }
0x24: {  	s3 =	sadd.s32 $0x88, s3;
	s6 =	simm.s32 @!p1 $0x1082;
	[sflag:s4] =	ssyncset.s32 $0xFFFFF086  }
0x25: {  	[simem:s6], [sflag:s4] =	dma.local [hbm:s3], $0xF7A  }
0x26: {  	[smem:$0x3F9D] =	sst s1;
	(tag) =	ssettag s2;
	_ =	strace s9  }
0x27: {  	s1 =	sld [smem:$0x3FAD]  }
0x28: {  	s2 =	sld [smem:$0x3FAE]  }
0x29: {  	s4 =	sld [smem:$0x3FB0]  }
0x2a: {  	p0 =	seq.s32 s5, $0x0;
	s5 =	sld [smem:$0x3FB1]  }
0x2b: {  	s6 =	sld [smem:$0x3FB2]  }
0x2c: {  	s7 =	sld [smem:$0x3FB3]  }
0x2d: {  	s3 =	simm.s32 $0x108;
	s8 =	sld [smem:$0x3FB4]  }
0x2e: {  	s3 =	simm.s32 @!p0 $0x1082;
	s9 =	sld [smem:$0x3FB5]  }
0x2f: {  	lr =	sadd.s32 s0, s3;
	s0 =	sld [smem:$0x3FAC]  }
0x30: {  	s3 =	sld [smem:$0x3FAF]  }
0x31: {  	[smem:$0x3FB8] =	sst s10  }
0x32: {  	s10 =	sld [smem:$0x3FB6];
	_ =	sdelay $0x3  }
0x33: {  	p0 =	seq.s32 s10, $0x1;
	s10 =	sld [smem:$0x3FB8];
	_ =	sdelay $0x3  }
0x34: {  	[smem:$0x3FB8] =	sst s10  }
0x35: {  	s10 =	sld [smem:$0x3FB7];
	_ =	sdelay $0x3  }
0x36: {  	p1 =	seq.s32 s10, $0x1;
	s10 =	sld [smem:$0x3FB8];
	_ =	sdelay $0x3  }
0x37: {  	[smem:$0x3FB8] =	sst s10  }
0x38: {  	s10 =	sld [smem:$0x3FB9]  }
0x39: {  	_ = 	snop;
	(pc) =	sbr.ind lr, $3  }
0x3a: {  	_ = 	snop  }
0x3b: {  	_ = 	snop  }
0x3c: {  	p2 =	seq.s32 s10, $0x1;
	s10 =	sld [smem:$0x3FB8]  }
0x3d: {  	_ =	shalt  }
0x3e: {  	_ =	shalt  }
0x3f: {  	_ =	shalt  }
0x40: {  	_ =	shalt  }
0x41: {  	_ =	shalt  }
0x42: {  	_ =	shalt  }
0x43: {  	_ =	shalt  }
0x44: {  	_ =	shalt  }
0x45: {  	_ =	shalt  }
0x46: {  	_ =	shalt  }
0x47: {  	_ =	shalt  }
0x48: {  	_ =	shalt  }
0x49: {  	_ =	shalt  }
0x4a: {  	_ =	shalt  }
0x4b: {  	_ =	shalt  }
0x4c: {  	_ =	shalt  }
0x4d: {  	_ =	shalt  }
0x4e: {  	_ =	shalt  }
0x4f: {  	_ =	shalt  }
0x50: {  	_ =	shalt  }
0x51: {  	_ =	shalt  }
0x52: {  	_ =	shalt  }
0x53: {  	_ =	shalt  }
0x54: {  	_ =	shalt  }
0x55: {  	_ =	shalt  }
0x56: {  	_ =	shalt  }
0x57: {  	_ =	shalt  }
0x58: {  	_ =	shalt  }
0x59: {  	_ =	shalt  }
0x5a: {  	_ =	shalt  }
0x5b: {  	_ =	shalt  }
0x5c: {  	_ =	shalt  }
0x5d: {  	_ =	shalt  }
0x5e: {  	_ =	shalt  }
0x5f: {  	_ =	shalt  }
0x60: {  	_ =	shalt  }
0x61: {  	_ =	shalt  }
0x62: {  	_ =	shalt  }
0x63: {  	_ =	shalt  }
0x64: {  	_ =	shalt  }
0x65: {  	_ =	shalt  }
0x66: {  	_ =	shalt  }
0x67: {  	_ =	shalt  }
0x68: {  	_ =	shalt  }
0x69: {  	_ =	shalt  }
0x6a: {  	_ =	shalt  }
0x6b: {  	_ =	shalt  }
0x6c: {  	_ =	shalt  }
0x6d: {  	_ =	shalt  }
0x6e: {  	_ =	shalt  }
0x6f: {  	_ =	shalt  }
0x70: {  	_ =	shalt  }
0x71: {  	_ =	shalt  }
0x72: {  	_ =	shalt  }
0x73: {  	_ =	shalt  }
0x74: {  	_ =	shalt  }
0x75: {  	_ =	shalt  }
0x76: {  	_ =	shalt  }
0x77: {  	_ =	shalt  }
0x78: {  	_ =	shalt  }
0x79: {  	_ =	shalt  }
0x7a: {  	_ =	shalt  }
0x7b: {  	_ =	shalt  }
0x7c: {  	_ =	shalt  }
0x7d: {  	_ =	shalt  }
0x7e: {  	_ =	shalt  }
0x7f: {  	_ =	shalt  }
0x80: {  	_ =	shalt  }
0x81: {  	_ =	shalt  }
0x82: {  	_ =	shalt  }
0x83: {  	_ =	shalt  }
0x84: {  	_ =	shalt  }
0x85: {  	_ =	shalt  }
0x86: {  	_ =	shalt  }
0x87: {  	_ =	shalt  }
.Lfunc_end0:
.L_simem_size_0:
called_computation.1_lowered:
.L_overlay_start_0:
0x88: {  	s2 =	sld [smem:$0x3FD9]  }
0x89: {  	s3 =	sld [smem:$0x3FFE];
	_ =	sdelay $0x1  }
0x8a: {  	s1 =	srdreg.scid  }
0x8b: {  	s0 =	sand.u32 $0x1, s1  }
0x8c: {  	s16 =	sshll.u32 s0, $0xA;
	s2 =	sadd.s32 s3, s2  }
0x8d: {  	s2 =	sadd.s32 s2, s16  }
0x8e: {  	[smem:$0x3FC4] =	sst s2  }
0x8f: {  	_ = 	snop  }
0x90: {  	(tm) =	ssettm $0x1  }
0x91: {  	s17 =	sld [smem:$0x3FFB];
	_ =	sdelay $0x3  }
0x92: {  	_ =	strace s17  }
0x93: {  	s2 =	sld [smem:$0x3FFC];
	_ =	sdelay $0x3  }
0x94: {  	_ =	strace s2  }
0x95: {  	s2 =	sld [smem:$0x3FFD];
	_ =	sdelay $0x3  }
0x96: {  	_ =	strace s2  }
0x97: {  	_ =	strace $0x8FFFFFFF  }
0x98: {  	s18 =	sld [smem:$0x3FDB];
	_ =	sdelay $0x1  }
0x99: {  	s19 =	simm.s32 $_scs_section_size  }
0x9a: {  	s4 =	simm.s32 $_size__tile_overlayer_lowered;
	s5 =	simm.s32 $_tile_overlayer_lowered  }
0x9b: {  	s22 =	simm.s32 $0x1BFF;
	s21 =	sshll.u32 s5, $0x1;
	s2 =	sadd.s32 s19, s18  }
0x9c: {  	s6 =	simm.s32 $0x0;
	s20 =	sshll.u32 s4, $0x1;
	s4 =	sadd.s32 s21, s2  }
0x9d: {  	[timem:s6], [sflag:s22] =	dma.local [hbm:s4], s20  }
0x9e: {  	_ =	swait.ge [sflag:s22], s20  }
0x9f: {  	s3 =	ssub.s32 $0x0, s20;
	[sflag:s22] =	ssyncset.done $0x0  }
0xa0: {  	[sflag:s22] =	ssyncadd.s32 s3;
	_ =	sdelay $0x1  }
0xa1: {  	s23 =	simm.s32 $0x1B8B  }
0xa2: {  	_ =	swait.ge [sflag:s23], $0x1  }
0xa3: {  	[sflag:s23] =	ssyncset.done $0x0  }
0xa4: {  	s25 =	simm.s32 $0x1B8E;
	s24 =	sld [smem:$0x3FFE];
	[sflag:s23] =	ssyncadd.s32 $0xFFFFFFFF  }
0xa5: {  	s26 =	simm.s32 $execute0_lowered;
	[smem:$0x3FD2] =	sst s25  }
0xa6: {  	s4 =	sshll.u32 s26, $0x1;
	_ =	strace $0x80000049;
	[dreg:$0x1] =	wrdreg $0xFFFFFFFF  }
0xa7: {  	s28 =	simm.s32 $_size_execute0_lowered;
	s2 =	sadd.s32 s2, s4;
	[dreg:$0x0] =	wrdreg $0x0  }
0xa8: {  	s4 =	sshll.u32 s28, $0x1;
	[dreg:$0x2] =	wrdreg s2  }
0xa9: {  	[dreg:$0x3] =	wrdreg s4  }
0xaa: {  	[dreg:$0x4] =	wrdreg $0xC0  }
0xab: {  	_ =	task [dreg:s6], $0x5FFFF  }
0xac: {  	[dreg:$0x1] =	wrdreg $0xFFFFFFFF  }
0xad: {  	[dreg:$0x0] =	wrdreg $0x60  }
0xae: {  	[dreg:$0x2] =	wrdreg s24  }
0xaf: {  	[dreg:$0x3] =	wrdreg $0xA8000  }
0xb0: {  	[dreg:$0x4] =	wrdreg $0x9  }
0xb1: {  	_ =	task.clear_ibuf [dreg:s6], $0x5FFFF;
	_ =	strace $0x90000049  }
0xb2: {  	s29 =	simm.s32 $0x9;
	_ =	strace $0x8000004B  }
0xb3: {  	_ =	swait.ge [sflag:s29], $0x1  }
0xb4: {  	[sflag:s29] =	ssyncadd.s32 $0xFFFFFFFF  }
0xb5: {  	_ =	strace $0x9000004B  }
0xb6: {  	_ =	sfence  }
0xb7: {  	s30 =	sld [smem:$0x0];
	_ =	sdelay $0x2  }
0xb8: {  	s31 =	sshll.u32 s1, $0xD;
	s1 =	sshrl.u32 s1, $0x2  }
0xb9: {  	s3 =	sand.u32 $0x4000, s31;
	s1 =	sadd.s32 s1, s30  }
0xba: {  	s0 =	sor.u32 s3, s0;
	s1 =	sshll.u32 s1, $0x11  }
0xbb: {  	s0 =	sor.u32 s1, s0  }
0xbc: {  	s0 =	sadd.s32 $0x8F2B, s0  }
0xbd: {  	[sflag:s0] =	ssyncadd.remote.s32 $0x1  }
0xbe: {  	_ =	sfence.sel $0xFFFF  }
0xbf: {  	[dreg:$0x0] =	wrdreg $0xFFFFFFFF;
	(pc) =	sbr.abs _section_cstart, $3  }
0xc0: {  	[dreg:$0x1] =	wrdreg $0xFFFFFFFF  }
0xc1: {  	_ =	task.clear_ibuf [dreg:s6], $0x2FFFF;
	_ =	strace $0x9FFFFFFF  }
0xc2: {  	(tm) =	ssettm $0x7FFFFFFF  }
0xc3: {  	_ =	shalt  }
tec
execute0_lowered:
.L_overlay_start_1:
0x0: {  	(tag) =	ssettag $0x1  }
0x1: {  	s0 =	rddreg [dreg:$0x0]  }
0x2: {  	s1 =	rddreg [dreg:$0x1];
	s2 =	simm.s32 $0x0;
	s22 =	srdreg.scid  }
0x3: {  	s28 =	simm.s32 $0x1;
	s29 =	simm.s32 $0x2;
	s30 =	simm.s32 $0x0  }
0x4: {  	[smem:$0x7FF] =	sst s2;
	s3 =	sadd.s32 $0x15400, s0;
	s2 =	sand.u32 $0x1, s22  }
0x5: {  	s4 =	sadd.s32 $0xB400, s0;
	s5 =	sadd.s32 $0x1400, s0;
	s14 =	sadd.s32 $0x3C600, s0  }
0x6: {  	s21 =	sadd.s32 $0x63800, s0;
	s9 =	sadd.s32 $0x138000, s1;
	s0 =	sadd.s32 $0x63600, s0  }
0x7: {  	s22 =	stileid.u32;
	_ =	strace $0x8000004A;
	s19 =	smul.u32 $0x138800, s2  }
0x8: {  	s6 =	ssub.s32 $0x2, s2;
	s12 =	smul.u32 $0x270, s22;
	[dreg:$0x3] =	wrdreg s9  }
0x9: {  	s2 =	sshll.u32 s2, $0x4;
	s8 =	smul.u32 $0x4E000, s22;
	[dreg:$0x4] =	wrdreg s0  }
0xa: {  	s31 =	smul.u32 $0x2700, s22;
	p0 =	sne.s32 s22, $0x0;
	s7 =	sshrl.u32 s6, $0x1  }
0xb: {  	s2 =	sor.u32 s22, s2;
	s6 =	ssub.s32 s6, s7;
	s23 =	sshrl.u32 s19, $0x3  }
0xc: {  	s26 =	sshrl.u32 s8, $0x2;
	s13 =	sadd.s32 $0xD0, s12;
	s9 =	sadd.s32 s14, s31  }
0xd: {  	s12 =	sadd.s32 $0x1A0, s12;
	s2 =	smul.u32 $0x500, s2;
	s7 =	sadd.s32 s21, s23  }
0xe: {  	s25 =	smax.u32 s6, $0x1;
	s0 =	sadd.s32 s26, s1;
	s8 =	sshll.u32 s13, $0x7  }
0xf: {  	s20 =	sshll.u32 s12, $0x7;
	s15 =	sshll.u32 s12, $0x4;
	[dreg:$0x6] =	wrdreg s25  }
0x10: {  	s23 =	smul.u32 $0x13800, s22;
	s24 =	sadd.s32 $0x27000, s7;
	[dreg:$0x7] =	wrdreg s0  }
0x11: {  	s7 =	sshll.u32 s22, $0x6;
	s11 =	sadd.s32 s8, s1;
	s25 =	sadd.s32 $0x280, s2  }
0x12: {  	s16 =	sadd.s32 s5, s2;
	s0 =	sadd.s32 s19, s8;
	s31 =	sadd.s32 s19, s20  }
0x13: {  	s22 =	simm.s32 $0x3;
	[dreg:$0x5] =	wrdreg s24;
	s10 =	sor.u32 $0x1C03, s7  }
0x14: {  	s24 =	sshll.u32 s13, $0x4;
	s13 =	sadd.s32 s20, s1;
	s17 =	sadd.s32 s4, s25  }
0x15: {  	s18 =	sadd.s32 s5, s25;
	s26 =	sadd.s32 s19, s23;
	s0 =	sshrl.u32 s0, $0x3  }
0x16: {  	s23 =	simm.s32 $0x1400;
	s25 =	simm.s32 $0x2800;
	s12 =	sadd.s32 s14, s24  }
0x17: {  	s14 =	sadd.s32 s14, s15;
	s15 =	sadd.s32 s4, s2;
	s2 =	sshrl.u32 s26, $0x3  }
0x18: {  	s4 =	sshrl.u32 s31, $0x3;
	s20 =	sadd.s32 s21, s0;
	s24 =	simm.s32 $0x80  }
0x19: {  	s26 =	simm.s32 $0x6800;
	s19 =	sadd.s32 s21, s2;
	s21 =	sadd.s32 s21, s4  }
.LBB2_1:
0x1a: {  	s0 =	rddreg [dreg:$0x7]  }
0x1b: {  	s31 =	sshrl.u32 s0, $0x3  }
0x1c: {  	[spmem:s31], [sflag:s10] =	dma.local [hbm:s9], $0xD00  }
0x1d: {  	_ =	swait.ge [sflag:s22], $0xD00  }
0x1e: {  	[sflag:s22] =	ssyncset.done $0x0  }
0x1f: {  	s0 =	sshrl.u32 s11, $0x3;
	[sflag:s22] =	ssyncadd.s32 $0xFFFFF300  }
0x20: {  	[spmem:s0], [sflag:s10] =	dma.local [hbm:s12], $0xD00  }
0x21: {  	_ =	swait.ge [sflag:s22], $0xD00  }
0x22: {  	[sflag:s22] =	ssyncset.done $0x0  }
0x23: {  	s2 =	sshrl.u32 s13, $0x3;
	[sflag:s22] =	ssyncadd.s32 $0xFFFFF300  }
0x24: {  	[spmem:s2], [sflag:s10] =	dma.local [hbm:s14], $0xD00  }
0x25: {  	_ =	swait.ge [sflag:s22], $0xD00  }
0x26: {  	s5 =	simm.s32 @!p0 $0x1C03;
	[sflag:s22] =	ssyncset.done $0x0;
	s4 =	rddreg [dreg:$0x3]  }
0x27: {  	s6 =	rddreg [dreg:$0x4];
	[sflag:s22] =	ssyncadd.s32 $0xFFFFF300;
	s4 =	sshrl.u32 @!p0 s4, $0x3  }
0x28: {  	[spmem:s4], [sflag:s5] =	dma.local @!p0 [hbm:s6], $0x180  }
0x29: {  	s5 =	simm.s32 @!p0 $0x3  }
0x2a: {  	_ =	swait.ge @!p0 [sflag:s5], $0x180  }
0x2b: {  	[sflag:s5] =	ssyncset.done @!p0 $0x0  }
0x2c: {  	[sflag:s5] =	ssyncadd.s32 @!p0 $0xFFFFFE80  }
0x2d: {  	s7 =	simm.s32 $0x0;
	[bflag:$0x0] =	sbarrier.arrive $0xFFFF  }
0x2e: {  	[tilespmem:s7], [sflag:$0x3] =	stream.linear.gather [hbm4b:s15+s7], $0x1400, $0x38;
	[tilespmem:$0x1E0C0] =	vst v63  }
0x2f: {  	_ =	swait.ge [sflag:s22], $0x1400  }
0x30: {  	[sflag:s22] =	ssyncset.done $0x0  }
0x31: {  	[sflag:s22] =	ssyncadd.s32 $0xFFFFEC00  }
0x32: {  	[tilespmem:s23], [sflag:$0x3] =	stream.linear.gather [hbm4b:s16+s7], $0x1400, $0x38;
	[tilespmem:$0x1E0C0] =	vst v63  }
0x33: {  	_ =	swait.ge [sflag:s22], $0x1400  }
0x34: {  	[sflag:s22] =	ssyncset.done $0x0  }
0x35: {  	s8 =	simm.s32 $0x0;
	[sflag:s22] =	ssyncadd.s32 $0xFFFFEC00  }
0x36: {  	[tilespmem:s25], [sflag:$0x1] =	stream.indirect.gather [hbm4b:s3+s24], $0x80, s8, s24, $0xb8;
	[tilespmem:$0x1E0C0] =	vst v63  }
0x37: {  	s6 =	simm.s32 $0x80  }
0x38: {  	[tilespmem:s26], [sflag:$0x2] =	stream.indirect.gather [hbm4b:s3+s24], $0x80, s6, s24, $0xb8;
	[tilespmem:$0x1E0C0] =	vst v63  }
0x39: {  	_ =	swait.ge [sflag:s28], $0x4000  }
0x3a: {  	[sflag:s28] =	ssyncset.done $0x0  }
0x3b: {  	s7 =	simm.s32 $0x1400;
	[sflag:s28] =	ssyncadd.s32 $0xFFFFC000  }
0x3c: {  	[spmem:s1] =	stream.indirect.scatter.add.f32 [tilespmem:s25], [sflag:$0x3], $0x80, s7, s24, $0xb8;
	[tilespmem:$0x1E0C0] =	vst v63  }
0x3d: {  	_ =	swait.ge [sflag:s22], $0x4000  }
0x3e: {  	[sflag:s22] =	ssyncset.done $0x0  }
0x3f: {  	[sflag:s22] =	ssyncadd.s32 $0xFFFFC000  }
0x40: {  	_ =	swait.ge [sflag:s29], $0x4000  }
0x41: {  	[sflag:s29] =	ssyncset.done $0x0  }
0x42: {  	s8 =	simm.s32 $0x1480;
	[sflag:s29] =	ssyncadd.s32 $0xFFFFC000  }
0x43: {  	[spmem:s1] =	stream.indirect.scatter.add.f32 [tilespmem:s26], [sflag:$0x3], $0x80, s8, s24, $0xb8;
	[tilespmem:$0x1E0C0] =	vst v63  }
0x44: {  	_ =	swait.ge [sflag:s22], $0x4000  }
0x45: {  	s5 =	simm.s32 $0x400;
	s6 =	simm.s32 $0x800;
	[sflag:s22] =	ssyncset.done $0x0  }
.LBB2_2:
0x46: {  	s7 =	sshra.s32 s5, $0x2  }
0x47: {  	[sflag:s22] =	ssyncadd.s32 $0xFFFFC000;
	s5 =	smov.u32 s6;
	s8 =	sadd.s32 $0x400, s6  }
0x48: {  	[tilespmem:s25], [sflag:$0x1] =	stream.indirect.gather [hbm4b:s3+s24], $0x80, s7, s24, $0xb8;
	[tilespmem:$0x1E0C0] =	vst v63  }
0x49: {  	p1 =	sne.s32 s6, $0x4C00;
	s6 =	sadd.s32 $0x80, s7  }
0x4a: {  	[tilespmem:s26], [sflag:$0x2] =	stream.indirect.gather [hbm4b:s3+s24], $0x80, s6, s24, $0xb8;
	[tilespmem:$0x1E0C0] =	vst v63  }
0x4b: {  	_ =	swait.ge [sflag:s28], $0x4000  }
0x4c: {  	[sflag:s28] =	ssyncset.done $0x0  }
0x4d: {  	s6 =	sadd.s32 $0x1400, s7;
	[sflag:s28] =	ssyncadd.s32 $0xFFFFC000  }
0x4e: {  	[spmem:s1] =	stream.indirect.scatter.add.f32 [tilespmem:s25], [sflag:$0x3], $0x80, s6, s24, $0xb8;
	[tilespmem:$0x1E0C0] =	vst v63  }
0x4f: {  	_ =	swait.ge [sflag:s22], $0x4000  }
0x50: {  	[sflag:s22] =	ssyncset.done $0x0  }
0x51: {  	[sflag:s22] =	ssyncadd.s32 $0xFFFFC000  }
0x52: {  	_ =	swait.ge [sflag:s29], $0x4000  }
.Ltmp0:
0x53: {  	[sflag:s29] =	ssyncset.done $0x0;
	(pc) =	sbr.rel @p1 .LBB2_2-.Ltmp0, $4  }
0x54: {  	s6 =	sadd.s32 $0x1480, s7;
	[sflag:s29] =	ssyncadd.s32 $0xFFFFC000  }
0x55: {  	[spmem:s1] =	stream.indirect.scatter.add.f32 [tilespmem:s26], [sflag:$0x3], $0x80, s6, s24, $0xb8;
	[tilespmem:$0x1E0C0] =	vst v63  }
0x56: {  	_ =	swait.ge [sflag:s22], $0x4000  }
0x57: {  	s6 =	smov.u32 s8;
	[sflag:s22] =	ssyncset.done $0x0  }
0x58: {  	s5 =	sshra.s32 s5, $0x2;
	[sflag:s22] =	ssyncadd.s32 $0xFFFFC000  }
0x59: {  	[tilespmem:s25], [sflag:$0x1] =	stream.indirect.gather [hbm4b:s3+s24], $0x80, s5, s24, $0xb8;
	[tilespmem:$0x1E0C0] =	vst v63  }
0x5a: {  	s6 =	sadd.s32 $0x80, s5  }
0x5b: {  	[tilespmem:s26], [sflag:$0x2] =	stream.indirect.gather [hbm4b:s3+s24], $0x80, s6, s24, $0xb8;
	[tilespmem:$0x1E0C0] =	vst v63  }
0x5c: {  	_ =	swait.ge [sflag:s28], $0x4000  }
0x5d: {  	[sflag:s28] =	ssyncset.done $0x0  }
0x5e: {  	s8 =	sadd.s32 $0x1400, s5;
	[sflag:s28] =	ssyncadd.s32 $0xFFFFC000  }
0x5f: {  	[spmem:s1] =	stream.indirect.scatter.add.f32 [tilespmem:s25], [sflag:$0x3], $0x80, s8, s24, $0xb8;
	[tilespmem:$0x1E0C0] =	vst v63  }
0x60: {  	_ =	swait.ge [sflag:s22], $0x4000  }
0x61: {  	[sflag:s22] =	ssyncset.done $0x0  }
0x62: {  	[sflag:s22] =	ssyncadd.s32 $0xFFFFC000  }
0x63: {  	_ =	swait.ge [sflag:s29], $0x4000  }
0x64: {  	[sflag:s29] =	ssyncset.done $0x0  }
0x65: {  	s5 =	sadd.s32 $0x1480, s5;
	[sflag:s29] =	ssyncadd.s32 $0xFFFFC000  }
0x66: {  	[spmem:s1] =	stream.indirect.scatter.add.f32 [tilespmem:s26], [sflag:$0x3], $0x80, s5, s24, $0xb8;
	[tilespmem:$0x1E0C0] =	vst v63  }
0x67: {  	_ =	swait.ge [sflag:s22], $0x4000  }
0x68: {  	[sflag:s22] =	ssyncset.done $0x0  }
0x69: {  	s7 =	simm.s32 $0x0;
	[sflag:s22] =	ssyncadd.s32 $0xFFFFC000  }
0x6a: {  	[tilespmem:s7], [sflag:$0x3] =	stream.linear.gather [hbm4b:s17+s7], $0x1400, $0x38;
	[tilespmem:$0x1E0C0] =	vst v63  }
0x6b: {  	_ =	swait.ge [sflag:s22], $0x1400  }
0x6c: {  	[sflag:s22] =	ssyncset.done $0x0  }
0x6d: {  	[sflag:s22] =	ssyncadd.s32 $0xFFFFEC00  }
0x6e: {  	[tilespmem:s23], [sflag:$0x3] =	stream.linear.gather [hbm4b:s18+s7], $0x1400, $0x38;
	[tilespmem:$0x1E0C0] =	vst v63  }
0x6f: {  	_ =	swait.ge [sflag:s22], $0x1400  }
0x70: {  	[sflag:s22] =	ssyncset.done $0x0  }
0x71: {  	s8 =	simm.s32 $0x0;
	[sflag:s22] =	ssyncadd.s32 $0xFFFFEC00  }
0x72: {  	[tilespmem:s25], [sflag:$0x1] =	stream.indirect.gather [hbm4b:s3+s24], $0x80, s8, s24, $0xb8;
	[tilespmem:$0x1E0C0] =	vst v63  }
0x73: {  	s6 =	simm.s32 $0x80  }
0x74: {  	[tilespmem:s26], [sflag:$0x2] =	stream.indirect.gather [hbm4b:s3+s24], $0x80, s6, s24, $0xb8;
	[tilespmem:$0x1E0C0] =	vst v63  }
0x75: {  	_ =	swait.ge [sflag:s28], $0x4000  }
0x76: {  	[sflag:s28] =	ssyncset.done $0x0  }
0x77: {  	s7 =	simm.s32 $0x1400;
	[sflag:s28] =	ssyncadd.s32 $0xFFFFC000  }
0x78: {  	[spmem:s1] =	stream.indirect.scatter.add.f32 [tilespmem:s25], [sflag:$0x3], $0x80, s7, s24, $0xb8;
	[tilespmem:$0x1E0C0] =	vst v63  }
0x79: {  	_ =	swait.ge [sflag:s22], $0x4000  }
0x7a: {  	[sflag:s22] =	ssyncset.done $0x0  }
0x7b: {  	[sflag:s22] =	ssyncadd.s32 $0xFFFFC000  }
0x7c: {  	_ =	swait.ge [sflag:s29], $0x4000  }
0x7d: {  	[sflag:s29] =	ssyncset.done $0x0  }
0x7e: {  	s8 =	simm.s32 $0x1480;
	[sflag:s29] =	ssyncadd.s32 $0xFFFFC000  }
0x7f: {  	[spmem:s1] =	stream.indirect.scatter.add.f32 [tilespmem:s26], [sflag:$0x3], $0x80, s8, s24, $0xb8;
	[tilespmem:$0x1E0C0] =	vst v63  }
0x80: {  	_ =	swait.ge [sflag:s22], $0x4000  }
0x81: {  	s5 =	simm.s32 $0x400;
	s6 =	simm.s32 $0x800;
	[sflag:s22] =	ssyncset.done $0x0  }
.LBB2_4:
0x82: {  	s7 =	sshra.s32 s5, $0x2  }
0x83: {  	[sflag:s22] =	ssyncadd.s32 $0xFFFFC000;
	s5 =	smov.u32 s6;
	s8 =	sadd.s32 $0x400, s6  }
0x84: {  	[tilespmem:s25], [sflag:$0x1] =	stream.indirect.gather [hbm4b:s3+s24], $0x80, s7, s24, $0xb8;
	[tilespmem:$0x1E0C0] =	vst v63  }
0x85: {  	p1 =	sne.s32 s6, $0x4C00;
	s6 =	sadd.s32 $0x80, s7  }
0x86: {  	[tilespmem:s26], [sflag:$0x2] =	stream.indirect.gather [hbm4b:s3+s24], $0x80, s6, s24, $0xb8;
	[tilespmem:$0x1E0C0] =	vst v63  }
0x87: {  	_ =	swait.ge [sflag:s28], $0x4000  }
0x88: {  	[sflag:s28] =	ssyncset.done $0x0  }
0x89: {  	s6 =	sadd.s32 $0x1400, s7;
	[sflag:s28] =	ssyncadd.s32 $0xFFFFC000  }
0x8a: {  	[spmem:s1] =	stream.indirect.scatter.add.f32 [tilespmem:s25], [sflag:$0x3], $0x80, s6, s24, $0xb8;
	[tilespmem:$0x1E0C0] =	vst v63  }
0x8b: {  	_ =	swait.ge [sflag:s22], $0x4000  }
0x8c: {  	[sflag:s22] =	ssyncset.done $0x0  }
0x8d: {  	[sflag:s22] =	ssyncadd.s32 $0xFFFFC000  }
0x8e: {  	_ =	swait.ge [sflag:s29], $0x4000  }
.Ltmp1:
0x8f: {  	[sflag:s29] =	ssyncset.done $0x0;
	(pc) =	sbr.rel @p1 .LBB2_4-.Ltmp1, $4  }
0x90: {  	s6 =	sadd.s32 $0x1480, s7;
	[sflag:s29] =	ssyncadd.s32 $0xFFFFC000  }
0x91: {  	[spmem:s1] =	stream.indirect.scatter.add.f32 [tilespmem:s26], [sflag:$0x3], $0x80, s6, s24, $0xb8;
	[tilespmem:$0x1E0C0] =	vst v63  }
0x92: {  	_ =	swait.ge [sflag:s22], $0x4000  }
0x93: {  	s6 =	smov.u32 s8;
	[sflag:s22] =	ssyncset.done $0x0  }
0x94: {  	s5 =	sshra.s32 s5, $0x2;
	[sflag:s22] =	ssyncadd.s32 $0xFFFFC000  }
0x95: {  	[tilespmem:s25], [sflag:$0x1] =	stream.indirect.gather [hbm4b:s3+s24], $0x80, s5, s24, $0xb8;
	[tilespmem:$0x1E0C0] =	vst v63  }
0x96: {  	s6 =	sadd.s32 $0x80, s5  }
0x97: {  	[tilespmem:s26], [sflag:$0x2] =	stream.indirect.gather [hbm4b:s3+s24], $0x80, s6, s24, $0xb8;
	[tilespmem:$0x1E0C0] =	vst v63  }
0x98: {  	_ =	swait.ge [sflag:s28], $0x4000  }
0x99: {  	[sflag:s28] =	ssyncset.done $0x0  }
0x9a: {  	s8 =	sadd.s32 $0x1400, s5;
	[sflag:s28] =	ssyncadd.s32 $0xFFFFC000  }
0x9b: {  	[spmem:s1] =	stream.indirect.scatter.add.f32 [tilespmem:s25], [sflag:$0x3], $0x80, s8, s24, $0xb8;
	[tilespmem:$0x1E0C0] =	vst v63  }
0x9c: {  	_ =	swait.ge [sflag:s22], $0x4000  }
0x9d: {  	[sflag:s22] =	ssyncset.done $0x0  }
0x9e: {  	[sflag:s22] =	ssyncadd.s32 $0xFFFFC000  }
0x9f: {  	_ =	swait.ge [sflag:s29], $0x4000  }
0xa0: {  	[sflag:s29] =	ssyncset.done $0x0  }
0xa1: {  	s5 =	sadd.s32 $0x1480, s5;
	[sflag:s29] =	ssyncadd.s32 $0xFFFFC000  }
0xa2: {  	[spmem:s1] =	stream.indirect.scatter.add.f32 [tilespmem:s26], [sflag:$0x3], $0x80, s5, s24, $0xb8;
	[tilespmem:$0x1E0C0] =	vst v63  }
0xa3: {  	_ =	swait.ge [sflag:s22], $0x4000  }
0xa4: {  	[sflag:s22] =	ssyncset.done $0x0  }
0xa5: {  	[sflag:s22] =	ssyncadd.s32 $0xFFFFC000  }
0xa6: {  	[bflag:$0x0] =	sbarrier.arrive $0xFFFF  }
0xa7: {  	[hbm:s19], [sflag:s10] =	dma.local [spmem:s31], $0xD00  }
0xa8: {  	_ =	swait.ge [sflag:s22], $0xD00  }
0xa9: {  	[sflag:s22] =	ssyncset.done $0x0  }
0xaa: {  	[sflag:s22] =	ssyncadd.s32 $0xFFFFF300  }
0xab: {  	[hbm:s20], [sflag:s10] =	dma.local [spmem:s0], $0xD00  }
0xac: {  	_ =	swait.ge [sflag:s22], $0xD00  }
0xad: {  	[sflag:s22] =	ssyncset.done $0x0  }
0xae: {  	[sflag:s22] =	ssyncadd.s32 $0xFFFFF300  }
0xaf: {  	[hbm:s21], [sflag:s10] =	dma.local [spmem:s2], $0xD00  }
0xb0: {  	_ =	swait.ge [sflag:s22], $0xD00  }
0xb1: {  	[sflag:s22] =	ssyncset.done $0x0  }
0xb2: {  	s0 =	simm.s32 @!p0 $0x1C03;
	s2 =	rddreg [dreg:$0x5];
	[sflag:s22] =	ssyncadd.s32 $0xFFFFF300  }
0xb3: {  	[hbm:s2], [sflag:s0] =	dma.local @!p0 [spmem:s4], $0x100  }
0xb4: {  	s0 =	simm.s32 @!p0 $0x3  }
0xb5: {  	_ =	swait.ge @!p0 [sflag:s0], $0x100  }
0xb6: {  	s30 =	sadd.s32 $0x1, s30;
	s31 =	rddreg [dreg:$0x6]  }
0xb7: {  	p1 =	sne.s32 s30, s31  }
.Ltmp2:
0xb8: {  	_ = 	snop;
	(pc) =	sbr.rel @p1 .LBB2_1-.Ltmp2, $3  }
0xb9: {  	_ =	sdelay $0x1  }
0xba: {  	[sflag:s0] =	ssyncset.done @!p0 $0x0  }
0xbb: {  	[sflag:s0] =	ssyncadd.s32 @!p0 $0xFFFFFF00  }
0xbc: {  	_ =	sfence.sel $0x180000  }
0xbd: {  	[bflag:$0x0] =	sbarrier.arrive $0xFFFF  }
0xbe: {  	_ =	strace $0x9000004A  }
0xbf: {  	[bflag:$0x2] =	sbarrier.arrive $0xFFFF  }
0xc0: {  	s0 =	rddreg [dreg:$0x2]  }
0xc1: {  	s0 =	sadd.s32 @!p0 $0x100000, s0  }
0xc2: {  	[sflag:s0] =	ssyncadd.tile.s32 @!p0 $0x1;
	_ =	shalt  }
.Lfunc_end2:
_tile_overlayer_lowered:
.L_overlay_start_2:
0xc3: {  	(tag) =	ssettag $0x2  }
0xc4: {  	s0 =	rddreg [dreg:$0x0];
	s2 =	stileid.u32  }
0xc5: {  	s1 =	rddreg [dreg:$0x1];
	p0 =	sne.s32 s2, $0x0  }
0xc6: {  	s3 =	rddreg [dreg:$0x2];
	[bflag:$0x3] =	sbarrier.arrive $0xFFFF;
	s2 =	simm.s32 @!p0 $0x1C03  }
0xc7: {  	[timem:s3], [sflag:s2] =	dma.local @!p0 [hbm:s0], s1  }
0xc8: {  	s0 =	simm.s32 @!p0 $0x3  }
0xc9: {  	_ =	swait.ge @!p0 [sflag:s0], s1  }
0xca: {  	s1 =	ssub.s32 @!p0 $0x0, s1;
	[sflag:s0] =	ssyncset.done @!p0 $0x0  }
0xcb: {  	[sflag:s0] =	ssyncadd.s32 @!p0 s1  }
0xcc: {  	[bflag:$0x3] =	sbarrier.arrive $0xFFFF  }
0xcd: {  	_ =	shalt  }

// kernel: kernel.7.cloned.1.call-start
scs
__scs_entry_jumppad:
0x0: {  	(pc) =	sbr.rel $0x88, $3  }
0x1: {  	(tag) =	ssettag $0x0;
	lr =	simm.s32 $0x1  }
0x2: {  	[smem:$0x3F9D] =	sst lr;
	_ =	strace $0xD0000000  }
0x3: {  	_ = 	snop  }
0x4: {  	_ = 	snop  }
0x5: {  	_ = 	snop  }
0x6: {  	_ = 	snop  }
0x7: {  	_ = 	snop  }
__scs_overlays_trampoline_lowered:
0x8: {  	[smem:$0x3FAC] =	sst s0  }
0x9: {  	[smem:$0x3FAD] =	sst s1  }
0xa: {  	[smem:$0x3FAE] =	sst s2  }
0xb: {  	[smem:$0x3FAF] =	sst s3  }
0xc: {  	[smem:$0x3FB0] =	sst s4  }
0xd: {  	[smem:$0x3FB1] =	sst s5  }
0xe: {  	[smem:$0x3FB2] =	sst s6  }
0xf: {  	[smem:$0x3FB3] =	sst s7  }
0x10: {  	[smem:$0x3FB4] =	sst s8  }
0x11: {  	[smem:$0x3FB5] =	sst s9;
	s0 =	simm.s32 @!p0 $0x0  }
0x12: {  	s1 =	sld [smem:$0x3F9B];
	s0 =	simm.s32 @p0 $0x1  }
0x13: {  	[smem:$0x3FB6] =	sst s0;
	s0 =	simm.s32 @!p1 $0x0  }
0x14: {  	s2 =	sld [smem:$0x3F9A];
	s0 =	simm.s32 @p1 $0x1  }
0x15: {  	[smem:$0x3FB7] =	sst s0;
	s0 =	simm.s32 @!p2 $0x0  }
0x16: {  	s3 =	sld [smem:$0x3FDB];
	s0 =	simm.s32 @p2 $0x1  }
0x17: {  	s4 =	simm.s32 $0x1BF5;
	[smem:$0x3FB9] =	sst s0  }
0x18: {  	s0 =	sld [smem:$0x3F9C];
	_ =	swait.ge [sflag:s4], $0x0  }
0x19: {  	s7 =	sld [smem:$0x3F9D]  }
0x1a: {  	s8 =	sadd.s32 $0xFFFFE003, lr  }
0x1b: {  	s9 =	sadd.s32 $0xFFFFFEF7, lr;
	s5 =	simm.s32 $0xFFFFFFFF;
	p2 =	slt.u32 s8, $0xFFFFF086  }
0x1c: {  	p1 =	slt.u32 s9, $0xF7A;
	s5 =	simm.s32 @!p2 $0x0  }
0x1d: {  	s5 =	simm.s32 @p1 $0x1;
	p0 =	seq.s32 s7, s2  }
0x1e: {  	s7 =	smul.u32 @!p0 $0xF7A, s2;
	p2 =	seq.s32 @!p0 s5, $0x0  }
0x1f: {  	s9 =	smul.u32 $0xF7A, s1;
	s8 =	simm.s32 @!p0 $0x1BF5;
	p2 =	por !p2, p0  }
0x20: {  	[sflag:s8] =	ssyncset.s32 @!p0 $0xFFFFF086;
	s6 =	sadd.s32 @!p0 s3, s7;
	s7 =	simm.s32 @!p0 $0x108  }
0x21: {  	s3 =	sadd.s32 s3, s9;
	s6 =	sadd.s32 @!p0 $0x88, s6;
	s7 =	simm.s32 @p2 $0x1082  }
0x22: {  	[simem:s7], [sflag:s8] =	dma.local @!p0 [hbm:s6], $0xF7A  }
0x23: {  	s9 =	sor.u32 $0xD0000000, s2;
	s6 =	simm.s32 $0x108;
	_ =	swait.ge @!p0 [sflag:s8], $0x0  }
0x24: {  	s3 =	sadd.s32 $0x88, s3;
	s6 =	simm.s32 @!p1 $0x1082;
	[sflag:s4] =	ssyncset.s32 $0xFFFFF086  }
0x25: {  	[simem:s6], [sflag:s4] =	dma.local [hbm:s3], $0xF7A  }
0x26: {  	[smem:$0x3F9D] =	sst s1;
	(tag) =	ssettag s2;
	_ =	strace s9  }
0x27: {  	s1 =	sld [smem:$0x3FAD]  }
0x28: {  	s2 =	sld [smem:$0x3FAE]  }
0x29: {  	s4 =	sld [smem:$0x3FB0]  }
0x2a: {  	p0 =	seq.s32 s5, $0x0;
	s5 =	sld [smem:$0x3FB1]  }
0x2b: {  	s6 =	sld [smem:$0x3FB2]  }
0x2c: {  	s7 =	sld [smem:$0x3FB3]  }
0x2d: {  	s3 =	simm.s32 $0x108;
	s8 =	sld [smem:$0x3FB4]  }
0x2e: {  	s3 =	simm.s32 @!p0 $0x1082;
	s9 =	sld [smem:$0x3FB5]  }
0x2f: {  	lr =	sadd.s32 s0, s3;
	s0 =	sld [smem:$0x3FAC]  }
0x30: {  	s3 =	sld [smem:$0x3FAF]  }
0x31: {  	[smem:$0x3FB8] =	sst s10  }
0x32: {  	s10 =	sld [smem:$0x3FB6];
	_ =	sdelay $0x3  }
0x33: {  	p0 =	seq.s32 s10, $0x1;
	s10 =	sld [smem:$0x3FB8];
	_ =	sdelay $0x3  }
0x34: {  	[smem:$0x3FB8] =	sst s10  }
0x35: {  	s10 =	sld [smem:$0x3FB7];
	_ =	sdelay $0x3  }
0x36: {  	p1 =	seq.s32 s10, $0x1;
	s10 =	sld [smem:$0x3FB8];
	_ =	sdelay $0x3  }
0x37: {  	[smem:$0x3FB8] =	sst s10  }
0x38: {  	s10 =	sld [smem:$0x3FB9]  }
0x39: {  	_ = 	snop;
	(pc) =	sbr.ind lr, $3  }
0x3a: {  	_ = 	snop  }
0x3b: {  	_ = 	snop  }
0x3c: {  	p2 =	seq.s32 s10, $0x1;
	s10 =	sld [smem:$0x3FB8]  }
0x3d: {  	_ =	shalt  }
0x3e: {  	_ =	shalt  }
0x3f: {  	_ =	shalt  }
0x40: {  	_ =	shalt  }
0x41: {  	_ =	shalt  }
0x42: {  	_ =	shalt  }
0x43: {  	_ =	shalt  }
0x44: {  	_ =	shalt  }
0x45: {  	_ =	shalt  }
0x46: {  	_ =	shalt  }
0x47: {  	_ =	shalt  }
0x48: {  	_ =	shalt  }
0x49: {  	_ =	shalt  }
0x4a: {  	_ =	shalt  }
0x4b: {  	_ =	shalt  }
0x4c: {  	_ =	shalt  }
0x4d: {  	_ =	shalt  }
0x4e: {  	_ =	shalt  }
0x4f: {  	_ =	shalt  }
0x50: {  	_ =	shalt  }
0x51: {  	_ =	shalt  }
0x52: {  	_ =	shalt  }
0x53: {  	_ =	shalt  }
0x54: {  	_ =	shalt  }
0x55: {  	_ =	shalt  }
0x56: {  	_ =	shalt  }
0x57: {  	_ =	shalt  }
0x58: {  	_ =	shalt  }
0x59: {  	_ =	shalt  }
0x5a: {  	_ =	shalt  }
0x5b: {  	_ =	shalt  }
0x5c: {  	_ =	shalt  }
0x5d: {  	_ =	shalt  }
0x5e: {  	_ =	shalt  }
0x5f: {  	_ =	shalt  }
0x60: {  	_ =	shalt  }
0x61: {  	_ =	shalt  }
0x62: {  	_ =	shalt  }
0x63: {  	_ =	shalt  }
0x64: {  	_ =	shalt  }
0x65: {  	_ =	shalt  }
0x66: {  	_ =	shalt  }
0x67: {  	_ =	shalt  }
0x68: {  	_ =	shalt  }
0x69: {  	_ =	shalt  }
0x6a: {  	_ =	shalt  }
0x6b: {  	_ =	shalt  }
0x6c: {  	_ =	shalt  }
0x6d: {  	_ =	shalt  }
0x6e: {  	_ =	shalt  }
0x6f: {  	_ =	shalt  }
0x70: {  	_ =	shalt  }
0x71: {  	_ =	shalt  }
0x72: {  	_ =	shalt  }
0x73: {  	_ =	shalt  }
0x74: {  	_ =	shalt  }
0x75: {  	_ =	shalt  }
0x76: {  	_ =	shalt  }
0x77: {  	_ =	shalt  }
0x78: {  	_ =	shalt  }
0x79: {  	_ =	shalt  }
0x7a: {  	_ =	shalt  }
0x7b: {  	_ =	shalt  }
0x7c: {  	_ =	shalt  }
0x7d: {  	_ =	shalt  }
0x7e: {  	_ =	shalt  }
0x7f: {  	_ =	shalt  }
0x80: {  	_ =	shalt  }
0x81: {  	_ =	shalt  }
0x82: {  	_ =	shalt  }
0x83: {  	_ =	shalt  }
0x84: {  	_ =	shalt  }
0x85: {  	_ =	shalt  }
0x86: {  	_ =	shalt  }
0x87: {  	_ =	shalt  }
.Lfunc_end0:
.L_simem_size_0:
called_computation_lowered:
.L_overlay_start_0:
0x88: {  	s2 =	sld [smem:$0x3FD9]  }
0x89: {  	s3 =	sld [smem:$0x3FFE];
	_ =	sdelay $0x1  }
0x8a: {  	s1 =	srdreg.scid  }
0x8b: {  	s0 =	sand.u32 $0x1, s1  }
0x8c: {  	s17 =	sshll.u32 s0, $0xA;
	s2 =	sadd.s32 s3, s2  }
0x8d: {  	s2 =	sadd.s32 s2, s17  }
0x8e: {  	[smem:$0x3FC4] =	sst s2  }
0x8f: {  	_ = 	snop  }
0x90: {  	s2 =	sld [smem:$0x3FD0];
	(tm) =	ssettm $0x1  }
0x91: {  	s18 =	sld [smem:$0x3FFB];
	_ =	sdelay $0x3  }
0x92: {  	_ =	strace s18  }
0x93: {  	s3 =	sld [smem:$0x3FFC];
	_ =	sdelay $0x3  }
0x94: {  	_ =	strace s3  }
0x95: {  	s3 =	sld [smem:$0x3FFD];
	_ =	sdelay $0x3  }
0x96: {  	_ =	strace s3  }
0x97: {  	_ =	strace $0x8FFFFFFF  }
0x98: {  	s19 =	sld [smem:$0x3FDB];
	_ =	sdelay $0x1  }
0x99: {  	s4 =	simm.s32 $_scs_section_size  }
0x9a: {  	s5 =	simm.s32 $_size__tile_overlayer_lowered;
	s6 =	simm.s32 $_tile_overlayer_lowered  }
0x9b: {  	s22 =	simm.s32 $0x1BFF;
	s21 =	sshll.u32 s6, $0x1;
	s3 =	sadd.s32 s4, s19  }
0x9c: {  	s7 =	simm.s32 $0x0;
	s20 =	sshll.u32 s5, $0x1;
	s5 =	sadd.s32 s21, s3  }
0x9d: {  	[timem:s7], [sflag:s22] =	dma.local [hbm:s5], s20  }
0x9e: {  	_ =	swait.ge [sflag:s22], s20  }
0x9f: {  	s4 =	ssub.s32 $0x0, s20;
	[sflag:s22] =	ssyncset.done $0x0  }
0xa0: {  	[sflag:s22] =	ssyncadd.s32 s4;
	_ =	sdelay $0x1  }
0xa1: {  	s23 =	simm.s32 $0x1B8B  }
0xa2: {  	_ =	swait.ge [sflag:s23], $0x1  }
0xa3: {  	[sflag:s23] =	ssyncset.done $0x0  }
0xa4: {  	s25 =	simm.s32 $0x1B8E;
	s24 =	sld [smem:$0x3FFE];
	[sflag:s23] =	ssyncadd.s32 $0xFFFFFFFF  }
0xa5: {  	s26 =	simm.s32 $execute0_lowered;
	[smem:$0x3FD2] =	sst s25  }
0xa6: {  	s5 =	sshll.u32 s26, $0x1;
	_ =	strace $0x80000046;
	[dreg:$0x1] =	wrdreg $0xFFFFFFFF  }
0xa7: {  	s28 =	simm.s32 $_size_execute0_lowered;
	s3 =	sadd.s32 s3, s5;
	[dreg:$0x0] =	wrdreg $0x0  }
0xa8: {  	s5 =	sshll.u32 s28, $0x1;
	[dreg:$0x2] =	wrdreg s3  }
0xa9: {  	[dreg:$0x3] =	wrdreg s5  }
0xaa: {  	[dreg:$0x4] =	wrdreg $0xC0  }
0xab: {  	_ =	task [dreg:s7], $0x5FFFF  }
0xac: {  	[dreg:$0x1] =	wrdreg $0xFFFFFFFF  }
0xad: {  	[dreg:$0x0] =	wrdreg $0x60  }
0xae: {  	[dreg:$0x2] =	wrdreg s24  }
0xaf: {  	[dreg:$0x3] =	wrdreg s2  }
0xb0: {  	[dreg:$0x4] =	wrdreg $0xA8000  }
0xb1: {  	[dreg:$0x5] =	wrdreg $0x9  }
0xb2: {  	_ =	task.clear_ibuf [dreg:s7], $0x6FFFF;
	_ =	strace $0x90000046  }
0xb3: {  	s29 =	simm.s32 $0x9;
	_ =	strace $0x80000048  }
0xb4: {  	_ =	swait.ge [sflag:s29], $0x1  }
0xb5: {  	[sflag:s29] =	ssyncadd.s32 $0xFFFFFFFF  }
0xb6: {  	_ =	strace $0x90000048  }
0xb7: {  	_ =	sfence  }
0xb8: {  	s30 =	sld [smem:$0x0];
	_ =	sdelay $0x2  }
0xb9: {  	s31 =	sshll.u32 s1, $0xD;
	s1 =	sshrl.u32 s1, $0x2  }
0xba: {  	s3 =	sand.u32 $0x4000, s31;
	s1 =	sadd.s32 s1, s30  }
0xbb: {  	s0 =	sor.u32 s3, s0;
	s1 =	sshll.u32 s1, $0x11  }
0xbc: {  	s0 =	sor.u32 s1, s0  }
0xbd: {  	s0 =	sadd.s32 $0x8F2B, s0  }
0xbe: {  	[sflag:s0] =	ssyncadd.remote.s32 $0x1  }
0xbf: {  	_ =	sfence.sel $0xFFFF  }
0xc0: {  	[dreg:$0x0] =	wrdreg $0xFFFFFFFF;
	(pc) =	sbr.abs _section_cstart, $3  }
0xc1: {  	[dreg:$0x1] =	wrdreg $0xFFFFFFFF  }
0xc2: {  	_ =	task.clear_ibuf [dreg:s7], $0x2FFFF;
	_ =	strace $0x9FFFFFFF  }
0xc3: {  	(tm) =	ssettm $0x7FFFFFFF  }
tec
execute0_lowered:
.L_overlay_start_1:
0x0: {  	(tag) =	ssettag $0x1  }
0x1: {  	s0 =	rddreg [dreg:$0x0]  }
0x2: {  	s2 =	rddreg [dreg:$0x2]  }
0x3: {  	s1 =	simm.s32 $0x0;
	s9 =	srdreg.scid;
	s14 =	stileid.u32  }
0x4: {  	s28 =	simm.s32 $0x2;
	s29 =	simm.s32 $0x6800;
	s30 =	simm.s32 $0x1400  }
0x5: {  	s31 =	simm.s32 $0x80;
	[smem:$0x7FF] =	sst s1;
	s3 =	sadd.s32 $0xB400, s0  }
0x6: {  	s4 =	sadd.s32 $0x1400, s0;
	s1 =	sand.u32 $0x1, s9;
	s15 =	smul.u32 $0x270, s14  }
0x7: {  	s5 =	sadd.s32 $0x3C600, s0;
	s12 =	sadd.s32 $0x63800, s0;
	s16 =	smul.u32 $0x2700, s14  }
0x8: {  	s13 =	sadd.s32 $0xB1A00, s0;
	s22 =	smul.u32 $0x4E000, s14;
	p0 =	sne.s32 s14, $0x0  }
0x9: {  	s6 =	ssub.s32 $0x2, s1;
	s11 =	smul.u32 $0x138800, s1;
	s1 =	sshll.u32 s1, $0x4  }
0xa: {  	_ =	strace $0x80000047;
	s7 =	sshrl.u32 s6, $0x1;
	s1 =	sor.u32 s14, s1  }
0xb: {  	s9 =	sadd.s32 $0xD0, s15;
	s18 =	sadd.s32 $0x1A0, s15;
	s21 =	ssub.s32 s6, s7  }
0xc: {  	s10 =	sshrl.u32 s11, $0x3;
	s24 =	sshll.u32 s9, $0x7;
	s1 =	smul.u32 $0x500, s1  }
0xd: {  	s17 =	sshll.u32 s9, $0x4;
	s25 =	sshll.u32 s18, $0x7;
	s19 =	sshll.u32 s18, $0x4  }
0xe: {  	s6 =	sadd.s32 $0x27000, s10;
	s10 =	smul.u32 $0x13800, s14;
	s7 =	sadd.s32 s5, s17  }
0xf: {  	s26 =	sadd.s32 s11, s24;
	s21 =	smax.u32 s21, $0x1;
	s24 =	sadd.s32 s24, s2  }
0x10: {  	s8 =	sadd.s32 s13, s6;
	s6 =	sadd.s32 s12, s6;
	s20 =	sadd.s32 $0x280, s1  }
0x11: {  	s9 =	sadd.s32 s4, s1;
	s17 =	sshrl.u32 s26, $0x3;
	[dreg:$0x4] =	wrdreg s8  }
0x12: {  	s1 =	sadd.s32 s3, s1;
	s26 =	sshll.u32 s14, $0x6;
	[dreg:$0x5] =	wrdreg s6  }
0x13: {  	s6 =	sadd.s32 s5, s16;
	s8 =	sadd.s32 s5, s19;
	s15 =	sadd.s32 s11, s10  }
0x14: {  	s10 =	sadd.s32 s4, s20;
	s11 =	sadd.s32 s11, s25;
	[dreg:$0x7] =	wrdreg s1  }
0x15: {  	s16 =	sadd.s32 s3, s20;
	s18 =	sadd.s32 s13, s17;
	s17 =	sadd.s32 s12, s17  }
0x16: {  	s25 =	sadd.s32 s25, s2;
	s23 =	sshrl.u32 s15, $0x3;
	[dreg:$0x8] =	wrdreg s16  }
0x17: {  	s11 =	sshrl.u32 s11, $0x3;
	[dreg:$0x9] =	wrdreg s18;
	s15 =	sadd.s32 s13, s23  }
0x18: {  	s1 =	simm.s32 $0x1;
	s19 =	sadd.s32 s13, s11;
	[dreg:$0x6] =	wrdreg s15  }
0x19: {  	s3 =	simm.s32 $0x0;
	s20 =	sadd.s32 s12, s23;
	[dreg:$0xa] =	wrdreg s19  }
0x1a: {  	s18 =	sadd.s32 s12, s11;
	s23 =	sshrl.u32 s22, $0x2;
	[dreg:$0xb] =	wrdreg s20  }
0x1b: {  	s19 =	sadd.s32 $0x15400, s0;
	s20 =	sadd.s32 $0x63600, s0;
	s22 =	sadd.s32 s23, s2  }
0x1c: {  	s23 =	sor.u32 $0x1C02, s26;
	s26 =	sadd.s32 $0x138000, s2;
	s0 =	simm.s32 $0x2800  }
.LBB2_1:
0x1d: {  	s4 =	sshrl.u32 s22, $0x3  }
0x1e: {  	[spmem:s4], [sflag:s23] =	dma.local [hbm:s6], $0xD00  }
0x1f: {  	_ =	swait.ge [sflag:s28], $0xD00  }
0x20: {  	[sflag:s28] =	ssyncset.done $0x0  }
0x21: {  	s5 =	sshrl.u32 s24, $0x3;
	[sflag:s28] =	ssyncadd.s32 $0xFFFFF300  }
0x22: {  	[spmem:s5], [sflag:s23] =	dma.local [hbm:s7], $0xD00  }
0x23: {  	_ =	swait.ge [sflag:s28], $0xD00  }
0x24: {  	[sflag:s28] =	ssyncset.done $0x0  }
0x25: {  	s11 =	sshrl.u32 s25, $0x3;
	[sflag:s28] =	ssyncadd.s32 $0xFFFFF300  }
0x26: {  	[spmem:s11], [sflag:s23] =	dma.local [hbm:s8], $0xD00  }
0x27: {  	_ =	swait.ge [sflag:s28], $0xD00  }
0x28: {  	[sflag:s28] =	ssyncset.done $0x0  }
0x29: {  	s12 =	sshrl.u32 @!p0 s26, $0x3;
	s13 =	simm.s32 @!p0 $0x1C02;
	[sflag:s28] =	ssyncadd.s32 $0xFFFFF300  }
0x2a: {  	[spmem:s12], [sflag:s13] =	dma.local @!p0 [hbm:s20], $0x180  }
0x2b: {  	s13 =	simm.s32 @!p0 $0x2  }
0x2c: {  	_ =	swait.ge @!p0 [sflag:s13], $0x180  }
0x2d: {  	[sflag:s13] =	ssyncset.done @!p0 $0x0  }
0x2e: {  	[sflag:s13] =	ssyncadd.s32 @!p0 $0xFFFFFE80  }
0x2f: {  	s14 =	simm.s32 $0x0;
	s13 =	rddreg [dreg:$0x1]  }
0x30: {  	[tilespmem:s29], [sflag:$0x2] =	stream.linear.gather [hbm4b:s13+s14], $0x4000, $0x38;
	[tilespmem:$0x1E0C0] =	vst v63  }
0x31: {  	_ =	swait.ge [sflag:s28], $0x4000  }
0x32: {  	[sflag:s28] =	ssyncset.done $0x0  }
0x33: {  	[sflag:s28] =	ssyncadd.s32 $0xFFFFC000  }
0x34: {  	[bflag:$0x0] =	sbarrier.arrive $0xFFFF  }
0x35: {  	[tilespmem:s30], [sflag:$0x2] =	stream.linear.gather [hbm4b:s9+s14], $0x1400, $0x38;
	[tilespmem:$0x1E0C0] =	vst v63  }
0x36: {  	_ =	swait.ge [sflag:s28], $0x1400  }
0x37: {  	[sflag:s28] =	ssyncset.done $0x0  }
0x38: {  	s16 =	simm.s32 $0x1400;
	[sflag:s28] =	ssyncadd.s32 $0xFFFFEC00  }
0x39: {  	[spmem:s2] =	stream.indirect.scatter.add.f32 [tilespmem:s29], [sflag:$0x2], $0x80, s16, s31, $0xb8;
	[tilespmem:$0x1E0C0] =	vst v63  }
0x3a: {  	s13 =	simm.s32 $0x200;
	_ =	swait.ge [sflag:s28], $0x4000  }
.LBB2_2:
0x3b: {  	s14 =	sshra.s32 s13, $0x2;
	[sflag:s28] =	ssyncset.done $0x0;
	p1 =	sne.s32 s13, $0x4E00  }
.Ltmp0:
0x3c: {  	s14 =	sadd.s32 $0x1400, s14;
	[sflag:s28] =	ssyncadd.s32 $0xFFFFC000;
	(pc) =	sbr.rel @p1 .LBB2_2-.Ltmp0, $3  }
0x3d: {  	[spmem:s2] =	stream.indirect.scatter.add.f32 [tilespmem:s29], [sflag:$0x2], $0x80, s14, s31, $0xb8;
	[tilespmem:$0x1E0C0] =	vst v63  }
0x3e: {  	s13 =	sadd.s32 $0x200, s13;
	_ =	sdelay $0x1  }
0x3f: {  	_ =	swait.ge [sflag:s28], $0x4000  }
0x40: {  	[sflag:s28] =	ssyncset.done $0x0  }
0x41: {  	s13 =	simm.s32 $0x0;
	[sflag:s28] =	ssyncadd.s32 $0xFFFFC000  }
0x42: {  	[tilespmem:s30], [sflag:$0x2] =	stream.linear.gather [hbm4b:s10+s13], $0x1400, $0x38;
	[tilespmem:$0x1E0C0] =	vst v63  }
0x43: {  	_ =	swait.ge [sflag:s28], $0x1400  }
0x44: {  	[sflag:s28] =	ssyncset.done $0x0  }
0x45: {  	s16 =	simm.s32 $0x1400;
	[sflag:s28] =	ssyncadd.s32 $0xFFFFEC00  }
0x46: {  	[spmem:s2] =	stream.indirect.scatter.add.f32 [tilespmem:s29], [sflag:$0x2], $0x80, s16, s31, $0xb8;
	[tilespmem:$0x1E0C0] =	vst v63  }
0x47: {  	s13 =	simm.s32 $0x200;
	_ =	swait.ge [sflag:s28], $0x4000  }
.LBB2_4:
0x48: {  	s14 =	sshra.s32 s13, $0x2;
	[sflag:s28] =	ssyncset.done $0x0;
	p1 =	sne.s32 s13, $0x4E00  }
.Ltmp1:
0x49: {  	s14 =	sadd.s32 $0x1400, s14;
	[sflag:s28] =	ssyncadd.s32 $0xFFFFC000;
	(pc) =	sbr.rel @p1 .LBB2_4-.Ltmp1, $3  }
0x4a: {  	[spmem:s2] =	stream.indirect.scatter.add.f32 [tilespmem:s29], [sflag:$0x2], $0x80, s14, s31, $0xb8;
	[tilespmem:$0x1E0C0] =	vst v63  }
0x4b: {  	s13 =	sadd.s32 $0x200, s13;
	_ =	sdelay $0x1  }
0x4c: {  	_ =	swait.ge [sflag:s28], $0x4000  }
0x4d: {  	[sflag:s28] =	ssyncset.done $0x0  }
0x4e: {  	[sflag:s28] =	ssyncadd.s32 $0xFFFFC000  }
0x4f: {  	[bflag:$0x0] =	sbarrier.arrive $0xFFFF  }
0x50: {  	s13 =	rddreg [dreg:$0x6]  }
0x51: {  	[hbm:s13], [sflag:s23] =	dma.local [spmem:s4], $0xD00  }
0x52: {  	_ =	swait.ge [sflag:s28], $0xD00  }
0x53: {  	[sflag:s28] =	ssyncset.done $0x0  }
0x54: {  	s16 =	rddreg [dreg:$0x9];
	[sflag:s28] =	ssyncadd.s32 $0xFFFFF300  }
0x55: {  	[hbm:s16], [sflag:s23] =	dma.local [spmem:s5], $0xD00  }
0x56: {  	_ =	swait.ge [sflag:s28], $0xD00  }
0x57: {  	[sflag:s28] =	ssyncset.done $0x0  }
0x58: {  	s14 =	rddreg [dreg:$0xa];
	[sflag:s28] =	ssyncadd.s32 $0xFFFFF300  }
0x59: {  	[hbm:s14], [sflag:s23] =	dma.local [spmem:s11], $0xD00  }
0x5a: {  	_ =	swait.ge [sflag:s28], $0xD00  }
0x5b: {  	[sflag:s28] =	ssyncset.done $0x0  }
0x5c: {  	s13 =	simm.s32 @!p0 $0x1C02;
	s14 =	rddreg [dreg:$0x4];
	[sflag:s28] =	ssyncadd.s32 $0xFFFFF300  }
0x5d: {  	[hbm:s14], [sflag:s13] =	dma.local @!p0 [spmem:s12], $0x100  }
0x5e: {  	s14 =	simm.s32 @!p0 $0x2  }
0x5f: {  	_ =	swait.ge @!p0 [sflag:s14], $0x100  }
0x60: {  	[sflag:s14] =	ssyncset.done @!p0 $0x0  }
0x61: {  	[sflag:s14] =	ssyncadd.s32 @!p0 $0xFFFFFF00  }
0x62: {  	[spmem:s4], [sflag:s23] =	dma.local [hbm:s6], $0xD00  }
0x63: {  	_ =	swait.ge [sflag:s28], $0xD00  }
0x64: {  	[sflag:s28] =	ssyncset.done $0x0  }
0x65: {  	[sflag:s28] =	ssyncadd.s32 $0xFFFFF300  }
0x66: {  	[spmem:s5], [sflag:s23] =	dma.local [hbm:s7], $0xD00  }
0x67: {  	_ =	swait.ge [sflag:s28], $0xD00  }
0x68: {  	[sflag:s28] =	ssyncset.done $0x0  }
0x69: {  	[sflag:s28] =	ssyncadd.s32 $0xFFFFF300  }
0x6a: {  	[spmem:s11], [sflag:s23] =	dma.local [hbm:s8], $0xD00  }
0x6b: {  	_ =	swait.ge [sflag:s28], $0xD00  }
0x6c: {  	[sflag:s28] =	ssyncset.done $0x0  }
0x6d: {  	[sflag:s28] =	ssyncadd.s32 $0xFFFFF300  }
0x6e: {  	[spmem:s12], [sflag:s13] =	dma.local @!p0 [hbm:s20], $0x180  }
0x6f: {  	_ =	swait.ge @!p0 [sflag:s14], $0x180  }
0x70: {  	[sflag:s14] =	ssyncset.done @!p0 $0x0  }
0x71: {  	[sflag:s14] =	ssyncadd.s32 @!p0 $0xFFFFFE80  }
0x72: {  	[bflag:$0x0] =	sbarrier.arrive $0xFFFF  }
0x73: {  	s15 =	simm.s32 $0x0;
	s16 =	rddreg [dreg:$0x7]  }
0x74: {  	[tilespmem:s15], [sflag:$0x2] =	stream.linear.gather [hbm4b:s16+s15], $0x1400, $0x38;
	[tilespmem:$0x1E0C0] =	vst v63  }
0x75: {  	_ =	swait.ge [sflag:s28], $0x1400  }
0x76: {  	[sflag:s28] =	ssyncset.done $0x0  }
0x77: {  	[sflag:s28] =	ssyncadd.s32 $0xFFFFEC00  }
0x78: {  	[tilespmem:s30], [sflag:$0x2] =	stream.linear.gather [hbm4b:s9+s15], $0x1400, $0x38;
	[tilespmem:$0x1E0C0] =	vst v63  }
0x79: {  	_ =	swait.ge [sflag:s28], $0x1400  }
0x7a: {  	[sflag:s28] =	ssyncset.done $0x0  }
0x7b: {  	s15 =	simm.s32 $0x0;
	[sflag:s28] =	ssyncadd.s32 $0xFFFFEC00  }
0x7c: {  	[tilespmem:s0], [sflag:$0x1] =	stream.indirect.gather [hbm4b:s19+s31], $0x80, s15, s31, $0xb8;
	[tilespmem:$0x1E0C0] =	vst v63  }
0x7d: {  	_ =	swait.ge [sflag:s1], $0x4000  }
0x7e: {  	[sflag:s1] =	ssyncset.done $0x0  }
0x7f: {  	s16 =	simm.s32 $0x1400;
	[sflag:s1] =	ssyncadd.s32 $0xFFFFC000  }
0x80: {  	[spmem:s2] =	stream.indirect.scatter.add.f32 [tilespmem:s0], [sflag:$0x2], $0x80, s16, s31, $0xb8;
	[tilespmem:$0x1E0C0] =	vst v63  }
0x81: {  	_ =	swait.ge [sflag:s28], $0x4000  }
0x82: {  	s13 =	simm.s32 $0x200;
	s14 =	simm.s32 $0x400;
	[sflag:s28] =	ssyncset.done $0x0  }
.LBB2_6:
0x83: {  	s15 =	sshra.s32 s13, $0x2  }
0x84: {  	[sflag:s28] =	ssyncadd.s32 $0xFFFFC000;
	s13 =	smov.u32 s14;
	s16 =	sadd.s32 $0x200, s14  }
0x85: {  	[tilespmem:s0], [sflag:$0x1] =	stream.indirect.gather [hbm4b:s19+s31], $0x80, s15, s31, $0xb8;
	[tilespmem:$0x1E0C0] =	vst v63  }
0x86: {  	p1 =	sne.s32 s14, $0x4E00;
	_ =	swait.ge [sflag:s1], $0x4000  }
.Ltmp2:
0x87: {  	[sflag:s1] =	ssyncset.done $0x0;
	(pc) =	sbr.rel @p1 .LBB2_6-.Ltmp2, $4  }
0x88: {  	s14 =	sadd.s32 $0x1400, s15;
	[sflag:s1] =	ssyncadd.s32 $0xFFFFC000  }
0x89: {  	[spmem:s2] =	stream.indirect.scatter.add.f32 [tilespmem:s0], [sflag:$0x2], $0x80, s14, s31, $0xb8;
	[tilespmem:$0x1E0C0] =	vst v63  }
0x8a: {  	_ =	swait.ge [sflag:s28], $0x4000  }
0x8b: {  	s14 =	smov.u32 s16;
	[sflag:s28] =	ssyncset.done $0x0  }
0x8c: {  	s13 =	sshra.s32 s13, $0x2;
	[sflag:s28] =	ssyncadd.s32 $0xFFFFC000  }
0x8d: {  	[tilespmem:s0], [sflag:$0x1] =	stream.indirect.gather [hbm4b:s19+s31], $0x80, s13, s31, $0xb8;
	[tilespmem:$0x1E0C0] =	vst v63  }
0x8e: {  	_ =	swait.ge [sflag:s1], $0x4000  }
0x8f: {  	[sflag:s1] =	ssyncset.done $0x0  }
0x90: {  	s13 =	sadd.s32 $0x1400, s13;
	[sflag:s1] =	ssyncadd.s32 $0xFFFFC000  }
0x91: {  	[spmem:s2] =	stream.indirect.scatter.add.f32 [tilespmem:s0], [sflag:$0x2], $0x80, s13, s31, $0xb8;
	[tilespmem:$0x1E0C0] =	vst v63  }
0x92: {  	_ =	swait.ge [sflag:s28], $0x4000  }
0x93: {  	[sflag:s28] =	ssyncset.done $0x0  }
0x94: {  	s16 =	simm.s32 $0x0;
	s14 =	rddreg [dreg:$0x8];
	[sflag:s28] =	ssyncadd.s32 $0xFFFFC000  }
0x95: {  	[tilespmem:s16], [sflag:$0x2] =	stream.linear.gather [hbm4b:s14+s16], $0x1400, $0x38;
	[tilespmem:$0x1E0C0] =	vst v63  }
0x96: {  	_ =	swait.ge [sflag:s28], $0x1400  }
0x97: {  	[sflag:s28] =	ssyncset.done $0x0  }
0x98: {  	[sflag:s28] =	ssyncadd.s32 $0xFFFFEC00  }
0x99: {  	[tilespmem:s30], [sflag:$0x2] =	stream.linear.gather [hbm4b:s10+s16], $0x1400, $0x38;
	[tilespmem:$0x1E0C0] =	vst v63  }
0x9a: {  	_ =	swait.ge [sflag:s28], $0x1400  }
0x9b: {  	[sflag:s28] =	ssyncset.done $0x0  }
0x9c: {  	s15 =	simm.s32 $0x0;
	[sflag:s28] =	ssyncadd.s32 $0xFFFFEC00  }
0x9d: {  	[tilespmem:s0], [sflag:$0x1] =	stream.indirect.gather [hbm4b:s19+s31], $0x80, s15, s31, $0xb8;
	[tilespmem:$0x1E0C0] =	vst v63  }
0x9e: {  	_ =	swait.ge [sflag:s1], $0x4000  }
0x9f: {  	[sflag:s1] =	ssyncset.done $0x0  }
0xa0: {  	s16 =	simm.s32 $0x1400;
	[sflag:s1] =	ssyncadd.s32 $0xFFFFC000  }
0xa1: {  	[spmem:s2] =	stream.indirect.scatter.add.f32 [tilespmem:s0], [sflag:$0x2], $0x80, s16, s31, $0xb8;
	[tilespmem:$0x1E0C0] =	vst v63  }
0xa2: {  	_ =	swait.ge [sflag:s28], $0x4000  }
0xa3: {  	s13 =	simm.s32 $0x200;
	s14 =	simm.s32 $0x400;
	[sflag:s28] =	ssyncset.done $0x0  }
.LBB2_8:
0xa4: {  	s15 =	sshra.s32 s13, $0x2  }
0xa5: {  	[sflag:s28] =	ssyncadd.s32 $0xFFFFC000;
	s13 =	smov.u32 s14;
	s16 =	sadd.s32 $0x200, s14  }
0xa6: {  	[tilespmem:s0], [sflag:$0x1] =	stream.indirect.gather [hbm4b:s19+s31], $0x80, s15, s31, $0xb8;
	[tilespmem:$0x1E0C0] =	vst v63  }
0xa7: {  	p1 =	sne.s32 s14, $0x4E00;
	_ =	swait.ge [sflag:s1], $0x4000  }
.Ltmp3:
0xa8: {  	[sflag:s1] =	ssyncset.done $0x0;
	(pc) =	sbr.rel @p1 .LBB2_8-.Ltmp3, $4  }
0xa9: {  	s14 =	sadd.s32 $0x1400, s15;
	[sflag:s1] =	ssyncadd.s32 $0xFFFFC000  }
0xaa: {  	[spmem:s2] =	stream.indirect.scatter.add.f32 [tilespmem:s0], [sflag:$0x2], $0x80, s14, s31, $0xb8;
	[tilespmem:$0x1E0C0] =	vst v63  }
0xab: {  	_ =	swait.ge [sflag:s28], $0x4000  }
0xac: {  	s14 =	smov.u32 s16;
	[sflag:s28] =	ssyncset.done $0x0  }
0xad: {  	s13 =	sshra.s32 s13, $0x2;
	[sflag:s28] =	ssyncadd.s32 $0xFFFFC000  }
0xae: {  	[tilespmem:s0], [sflag:$0x1] =	stream.indirect.gather [hbm4b:s19+s31], $0x80, s13, s31, $0xb8;
	[tilespmem:$0x1E0C0] =	vst v63  }
0xaf: {  	_ =	swait.ge [sflag:s1], $0x4000  }
0xb0: {  	[sflag:s1] =	ssyncset.done $0x0  }
0xb1: {  	s13 =	sadd.s32 $0x1400, s13;
	[sflag:s1] =	ssyncadd.s32 $0xFFFFC000  }
0xb2: {  	[spmem:s2] =	stream.indirect.scatter.add.f32 [tilespmem:s0], [sflag:$0x2], $0x80, s13, s31, $0xb8;
	[tilespmem:$0x1E0C0] =	vst v63  }
0xb3: {  	_ =	swait.ge [sflag:s28], $0x4000  }
0xb4: {  	[sflag:s28] =	ssyncset.done $0x0  }
0xb5: {  	[sflag:s28] =	ssyncadd.s32 $0xFFFFC000  }
0xb6: {  	[bflag:$0x0] =	sbarrier.arrive $0xFFFF  }
0xb7: {  	s16 =	rddreg [dreg:$0xb]  }
0xb8: {  	[hbm:s16], [sflag:s23] =	dma.local [spmem:s4], $0xD00  }
0xb9: {  	_ =	swait.ge [sflag:s28], $0xD00  }
0xba: {  	[sflag:s28] =	ssyncset.done $0x0  }
0xbb: {  	[sflag:s28] =	ssyncadd.s32 $0xFFFFF300  }
0xbc: {  	[hbm:s17], [sflag:s23] =	dma.local [spmem:s5], $0xD00  }
0xbd: {  	_ =	swait.ge [sflag:s28], $0xD00  }
0xbe: {  	[sflag:s28] =	ssyncset.done $0x0  }
0xbf: {  	[sflag:s28] =	ssyncadd.s32 $0xFFFFF300  }
0xc0: {  	[hbm:s18], [sflag:s23] =	dma.local [spmem:s11], $0xD00  }
0xc1: {  	s3 =	sadd.s32 $0x1, s3;
	_ =	swait.ge [sflag:s28], $0xD00  }
0xc2: {  	p1 =	sne.s32 s3, s21;
	[sflag:s28] =	ssyncset.done $0x0  }
0xc3: {  	s4 =	simm.s32 @!p0 $0x1C02;
	s5 =	rddreg [dreg:$0x5];
	[sflag:s28] =	ssyncadd.s32 $0xFFFFF300  }
0xc4: {  	[hbm:s5], [sflag:s4] =	dma.local @!p0 [spmem:s12], $0x100  }
.Ltmp4:
0xc5: {  	_ = 	snop;
	(pc) =	sbr.rel @p1 .LBB2_1-.Ltmp4, $4  }
0xc6: {  	s4 =	simm.s32 @!p0 $0x2  }
0xc7: {  	_ =	swait.ge @!p0 [sflag:s4], $0x100  }
0xc8: {  	[sflag:s4] =	ssyncset.done @!p0 $0x0  }
0xc9: {  	[sflag:s4] =	ssyncadd.s32 @!p0 $0xFFFFFF00  }
0xca: {  	_ =	sfence.sel $0x180000  }
0xcb: {  	[bflag:$0x0] =	sbarrier.arrive $0xFFFF  }
0xcc: {  	_ =	strace $0x90000047  }
0xcd: {  	[bflag:$0x2] =	sbarrier.arrive $0xFFFF  }
0xce: {  	s0 =	rddreg [dreg:$0x3]  }
0xcf: {  	s0 =	sadd.s32 @!p0 $0x100000, s0  }
0xd0: {  	[sflag:s0] =	ssyncadd.tile.s32 @!p0 $0x1;
	_ =	shalt  }
.Lfunc_end2:
_tile_overlayer_lowered:
.L_overlay_start_2:
0xd1: {  	(tag) =	ssettag $0x2  }
0xd2: {  	s0 =	rddreg [dreg:$0x0];
	s2 =	stileid.u32  }
0xd3: {  	s1 =	rddreg [dreg:$0x1];
	p0 =	sne.s32 s2, $0x0  }
0xd4: {  	s3 =	rddreg [dreg:$0x2];
	[bflag:$0x3] =	sbarrier.arrive $0xFFFF;
	s2 =	simm.s32 @!p0 $0x1C02  }
0xd5: {  	[timem:s3], [sflag:s2] =	dma.local @!p0 [hbm:s0], s1  }
0xd6: {  	s0 =	simm.s32 @!p0 $0x2  }
0xd7: {  	_ =	swait.ge @!p0 [sflag:s0], s1  }
0xd8: {  	s1 =	ssub.s32 @!p0 $0x0, s1;
	[sflag:s0] =	ssyncset.done @!p0 $0x0  }
0xd9: {  	[sflag:s0] =	ssyncadd.s32 @!p0 s1  }
0xda: {  	[bflag:$0x3] =	sbarrier.arrive $0xFFFF  }
0xdb: {  	_ =	shalt  }

</sc_bundles>
